<compile_context>
chip_gen: v7x
topology: tpu7x:2x2x1
jax: 0.10.2.dev20260603
libtpu: 0.0.44.dev20260713+nightly
codegen_flags: <defaults>
</compile_context>

<pallas_src>
import jax
import jax.numpy as jnp
from jax import lax
from jax.experimental import pallas as pl
from jax.experimental.pallas import tpu as pltpu
from jax.experimental.pallas import tpu_sc as plsc

_EPS = 1e-5



def _merge16(ka, va, kb, vb):
  kbr = lax.rev(kb, (0,))
  vbr = lax.rev(vb, (0,))
  m = ka <= kbr
  klo = jnp.where(m, ka, kbr)
  vlo = jnp.where(m, va, vbr)
  khi = jnp.where(m, kbr, ka)
  vhi = jnp.where(m, vbr, va)
  klo, vlo = plsc.sort_key_val(klo, vlo)
  khi, vhi = plsc.sort_key_val(khi, vhi)
  return klo, vlo, khi, vhi


def _merge_chunk(t0, j0, t1, j1, d, i):
  ds, isrt = plsc.sort_key_val(d, i)
  dr = lax.rev(ds, (0,))
  ir = lax.rev(isrt, (0,))
  m = t1 <= dr
  ck = jnp.where(m, t1, dr)
  cv_ = jnp.where(m, j1, ir)
  ck, cv_ = plsc.sort_key_val(ck, cv_)
  return _merge16(t0, j0, ck, cv_)


def _sc_topk_kernel(pts_hbm, cx_hbm, cy_hbm, cz_hbm, out_hbm,
                    xv, yv, zv, cv, iv, sem):
  n = pts_hbm.shape[2]
  q = lax.axis_index("c")
  b = lax.axis_index("s")
  wid = q * 16 + b
  pltpu.sync_copy(pts_hbm.at[b, 0], xv)
  pltpu.sync_copy(pts_hbm.at[b, 1], yv)
  pltpu.sync_copy(pts_hbm.at[b, 2], zv)
  pltpu.sync_copy(cx_hbm.at[wid], cv.at[0])
  pltpu.sync_copy(cy_hbm.at[wid], cv.at[1])
  pltpu.sync_copy(cz_hbm.at[wid], cv.at[2])
  cx = cv[0]
  cy = cv[1]
  cz = cv[2]
  lane = lax.iota(jnp.int32, 16)

  def dist(t):
    dx = xv[pl.ds(t * 16, 16)] - cx
    dy = yv[pl.ds(t * 16, 16)] - cy
    dz = zv[pl.ds(t * 16, 16)] - cz
    return dx * dx + dy * dy + dz * dz, lane + t * 16

  d0, i0 = dist(0)
  d1, i1 = dist(1)
  d0, i0 = plsc.sort_key_val(d0, i0)
  d1, i1 = plsc.sort_key_val(d1, i1)
  t0, j0, t1, j1 = _merge16(d0, i0, d1, i1)
  d2, i2 = dist(2)
  t0, j0, t1, j1 = _merge_chunk(t0, j0, t1, j1, d2, i2)
  d3, i3 = dist(3)
  t0, j0, t1, j1 = _merge_chunk(t0, j0, t1, j1, d3, i3)
  thr = jnp.max(t1)

  def body(g, carry):
    t0, j0, t1, j1, thr = carry
    dis = [dist(4 * g + u) for u in range(4)]
    hit = (dis[0][0] < thr) | (dis[1][0] < thr)
    hit = hit | (dis[2][0] < thr) | (dis[3][0] < thr)

    def merge(args):
      t0, j0, t1, j1 = args
      for u in range(4):
        t0, j0, t1, j1 = _merge_chunk(t0, j0, t1, j1, dis[u][0], dis[u][1])
      return t0, j0, t1, j1, jnp.max(t1)

    def skip(args):
      t0, j0, t1, j1 = args
      return t0, j0, t1, j1, thr

    return lax.cond(jnp.any(hit), merge, skip, (t0, j0, t1, j1))

  t0, j0, t1, j1, thr = lax.fori_loop(1, n // 64, body, (t0, j0, t1, j1, thr))
  iv[pl.ds(0, 16)] = j0
  iv[pl.ds(16, 16)] = j1
  pltpu.sync_copy(iv, out_hbm.at[wid])


@jax.jit
def _sc_topk_call(pts_t, cx, cy, cz):
  n = pts_t.shape[2]
  mesh = plsc.VectorSubcoreMesh(core_axis_name="c", subcore_axis_name="s")
  kfn = pl.kernel(
      _sc_topk_kernel,
      out_type=jax.ShapeDtypeStruct((cx.shape[0], 32), jnp.int32),
      mesh=mesh,
      compiler_params=pltpu.CompilerParams(needs_layout_passes=False),
      scratch_types=[
          pltpu.VMEM((n,), jnp.float32),
          pltpu.VMEM((n,), jnp.float32),
          pltpu.VMEM((n,), jnp.float32),
          pltpu.VMEM((3, 16), jnp.float32),
          pltpu.VMEM((32,), jnp.int32),
          pltpu.SemaphoreType.DMA,
      ],
  )
  return kfn(pts_t, cx, cy, cz)



def _group_affine(sum_h, sumsq_h, gmat, gamma, beta, count):
  sg = lax.dot_general(sum_h, gmat, (((1,), (0,)), ((), ())))
  sqg = lax.dot_general(sumsq_h, gmat, (((1,), (0,)), ((), ())))
  mean_g = sg / count
  var_g = sqg / count - mean_g * mean_g
  inv_g = lax.rsqrt(var_g + _EPS)
  mean = lax.dot_general(mean_g, gmat, (((1,), (1,)), ((), ())))
  inv = lax.dot_general(inv_g, gmat, (((1,), (1,)), ((), ())))
  a = inv * gamma
  d = beta - mean * a
  return a, d


def _channel_sums(prev, w, b, n):
  ones_n = jnp.ones((1, prev.shape[0]), prev.dtype)
  s = lax.dot_general(ones_n, prev, (((1,), (0,)), ((), ())),
                      preferred_element_type=jnp.float32)
  gram = lax.dot_general(prev, prev, (((0,), (0,)), ((), ())),
                         preferred_element_type=jnp.float32)
  wg = lax.dot_general(w, gram, (((1,), (0,)), ((), ())))
  ones_c = jnp.ones((1, w.shape[1]), jnp.float32)
  q = lax.dot_general(ones_c, w * wg, (((1,), (1,)), ((), ())))
  sumu = lax.dot_general(s, w, (((1,), (1,)), ((), ())))
  sum_h = sumu + n * b
  sumsq_h = q + 2.0 * b * sumu + n * b * b
  return sum_h, sumsq_h


def _channel_sums_t(prev_t, w, b, n):
  ones_n = jnp.ones((1, prev_t.shape[1]), prev_t.dtype)
  s = lax.dot_general(ones_n, prev_t, (((1,), (1,)), ((), ())),
                      preferred_element_type=jnp.float32)
  gram = lax.dot_general(prev_t, prev_t, (((1,), (1,)), ((), ())),
                         preferred_element_type=jnp.float32)
  wg = lax.dot_general(w, gram, (((1,), (0,)), ((), ())))
  ones_c = jnp.ones((1, w.shape[1]), jnp.float32)
  q = lax.dot_general(ones_c, w * wg, (((1,), (1,)), ((), ())))
  sumu = lax.dot_general(s, w, (((1,), (1,)), ((), ())))
  sum_h = sumu + n * b
  sumsq_h = q + 2.0 * b * sumu + n * b * b
  return sum_h, sumsq_h


def _indicator(c, g):
  per = c // g
  ci = lax.broadcasted_iota(jnp.int32, (c, g), 0)
  gi = lax.broadcasted_iota(jnp.int32, (c, g), 1)
  return (ci // per == gi).astype(jnp.float32)


def _encoder_kernel(x_ref, w1, b1, g1, be1, w2, b2, g2, be2,
                    w3, b3, g3, be3, gmax_ref, h2n_ref, a3_ref, d3_ref):
  rpb, n = x_ref.shape[0], x_ref.shape[2]
  fn = float(n)
  x3 = x_ref[...]
  w1v, w2v, w3v = w1[...], w2[...], w3[...]
  b1v = b1[...][None, :]
  b2v = b2[...][None, :]
  b3v = b3[...][None, :]
  w2b = w2v.astype(jnp.bfloat16)
  w3b = w3v.astype(jnp.bfloat16)
  g1v, be1v = g1[...][None, :], be1[...][None, :]
  g2v, be2v = g2[...][None, :], be2[...][None, :]
  g3v, be3v = g3[...][None, :], be3[...][None, :]
  ind1, ind2, ind3 = _indicator(128, 16), _indicator(256, 32), _indicator(
      1024, 64)
  h1b = []
  for r in range(rpb):
    xp = x3[r]
    h1 = lax.dot_general(xp, w1v, (((0,), (1,)), ((), ())))
    s1, sq1 = _channel_sums_t(xp, w1v, b1v, fn)
    a1, d1 = _group_affine(s1, sq1, ind1, g1v, be1v, float(n * 8))
    h1b.append(jnp.maximum(h1 * a1 + (a1 * b1v + d1),
                           0.0).astype(jnp.bfloat16))
  h2 = lax.dot_general(jnp.concatenate(h1b, 0), w2b, (((1,), (1,)), ((), ())),
                       preferred_element_type=jnp.float32)
  h2b = []
  for r in range(rpb):
    s2, sq2 = _channel_sums(h1b[r], w2v, b2v, fn)
    a2, d2 = _group_affine(s2, sq2, ind2, g2v, be2v, float(n * 8))
    h2b.append(jnp.maximum(h2[r * n:(r + 1) * n] * a2 + (a2 * b2v + d2),
                           0.0).astype(jnp.bfloat16))
  h3 = lax.dot_general(jnp.concatenate(h2b, 0), w3b, (((1,), (1,)), ((), ())),
                       preferred_element_type=jnp.float32)
  for r in range(rpb):
    h2n_ref[r] = h2b[r].astype(jnp.float32)
    s3, sq3 = _channel_sums(h2b[r], w3v, b3v, fn)
    a3, d3 = _group_affine(s3, sq3, ind3, g3v, be3v, float(n * 16))
    a3_ref[r] = a3
    d3_ref[r] = d3
    hmax = jnp.max(h3[r * n:(r + 1) * n], axis=0, keepdims=True)
    gmax_ref[r] = jnp.maximum(a3 * hmax + (a3 * b3v + d3), 0.0)


_ROWS_PER_BLOCK = 2


@jax.jit
def _encoder_call(pts_t, p):
  b, _, n = pts_t.shape
  rpb = _ROWS_PER_BLOCK
  full = lambda s: pl.BlockSpec(s, lambda j: tuple(0 for _ in s))
  out = pl.BlockSpec((rpb, 1, 1024), lambda j: (j, 0, 0))
  specs = [
      pl.BlockSpec((rpb, 4, n), lambda j: (j, 0, 0)),
      full((128, 4)), full((128,)), full((128,)), full((128,)),
      full((256, 128)), full((256,)), full((256,)), full((256,)),
      full((1024, 256)), full((1024,)), full((1024,)), full((1024,)),
  ]
  args = (pts_t,
          p['pc_w1'], p['pc_b1'], p['pc_g1'], p['pc_be1'],
          p['pc_w2'], p['pc_b2'], p['pc_g2'], p['pc_be2'],
          p['pc_w3'], p['pc_b3'], p['pc_g3'], p['pc_be3'])
  return pl.pallas_call(
      _encoder_kernel,
      grid=(b // rpb,),
      in_specs=specs,
      out_specs=[out,
                 pl.BlockSpec((rpb, n, 256), lambda j: (j, 0, 0)),
                 out, out],
      out_shape=[jax.ShapeDtypeStruct((b, 1, 1024), jnp.float32),
                 jax.ShapeDtypeStruct((b, n, 256), jnp.float32),
                 jax.ShapeDtypeStruct((b, 1, 1024), jnp.float32),
                 jax.ShapeDtypeStruct((b, 1, 1024), jnp.float32)],
  )(*args)


def _sc_gather_kernel(tab_hbm, gidx_hbm, out_hbm, idxv, rows_v, sem):
  w = lax.axis_index("s") * 2 + lax.axis_index("c")
  base = w * 32
  pltpu.sync_copy(gidx_hbm.at[pl.ds(base, 32)], idxv)
  pltpu.async_copy(tab_hbm.at[idxv], rows_v, sem).wait()
  pltpu.sync_copy(rows_v, out_hbm.at[pl.ds(base, 32)])


@jax.jit
def _sc_gather_call(tab, gidx):
  mesh = plsc.VectorSubcoreMesh(core_axis_name="c", subcore_axis_name="s")
  kfn = pl.kernel(
      _sc_gather_kernel,
      out_type=jax.ShapeDtypeStruct((gidx.shape[0], tab.shape[1]),
                                    jnp.float32),
      mesh=mesh,
      compiler_params=pltpu.CompilerParams(needs_layout_passes=False),
      scratch_types=[
          pltpu.VMEM((32,), jnp.int32),
          pltpu.VMEM((32, tab.shape[1]), jnp.float32),
          pltpu.SemaphoreType.DMA,
      ],
  )
  return kfn(tab, gidx)



def _mm(x, w):
  return lax.dot_general(x, w, (((1,), (1,)), ((), ())))


def _lnorm(x, g, b):
  m = jnp.mean(x, axis=1, keepdims=True)
  v = jnp.mean(x * x, axis=1, keepdims=True) - m * m
  return (x - m) * lax.rsqrt(v + _EPS) * g + b


def _head_kernel(gmax, rows, a3, d3, dp, dv, jt, ja, jo, refs, out_ref):
  def r(k):
    v = refs[k][...]
    return v[None, :] if v.ndim == 1 else v
  gm = gmax[...][:, 0, :]
  nb = gmax.shape[0]
  w3b = refs['pc_w3'][...].astype(jnp.bfloat16)
  rows2 = rows[...].reshape(nb * 64, 256).astype(jnp.bfloat16)
  rows3 = lax.dot_general(rows2, w3b, (((1,), (1,)), ((), ())),
                          preferred_element_type=jnp.float32) \
      + refs['pc_b3'][...][None, :]
  jls, dls = [], []
  for i in range(nb):
    pf = jnp.maximum(rows3[i * 64:(i + 1) * 64] * a3[i] + d3[i], 0.0)
    jls.append(jnp.max(pf[0:32], axis=0, keepdims=True))
    dls.append(jnp.max(pf[32:64], axis=0, keepdims=True))
  jl = jnp.concatenate(jls, 0)
  dl = jnp.concatenate(dls, 0)
  g = _mm(gm, r('pc_w4')) + r('pc_b4')
  g = jnp.maximum(_lnorm(g, r('pc_ln4g'), r('pc_ln4b')), 0.0)
  g = _mm(g, r('pc_w5')) + r('pc_b5')

  dpv = dp[...]
  dvv = dv[...]
  jov = jo[...]
  di = jnp.concatenate([dpv, dvv], axis=1)
  df = _mm(_lnorm(jnp.maximum(_mm(di, r('de_w1')) + r('de_b1'), 0.0),
                  r('de_lng'), r('de_lnb')), r('de_w2')) + r('de_b2')
  rel = dpv - jov
  rf = _mm(_lnorm(jnp.maximum(_mm(rel, r('rp_w1')) + r('rp_b1'), 0.0),
                  r('rp_lng'), r('rp_lnb')), r('rp_w2')) + r('rp_b2')
  mag = jnp.sqrt(jnp.sum(dvv * dvv, axis=1, keepdims=True))
  mf = _mm(jnp.maximum(_mm(mag, r('mg_w1')) + r('mg_b1'), 0.0),
           r('mg_w2')) + r('mg_b2')
  comb = jnp.concatenate([df, rf, mf], axis=1)
  drag_feat = _mm(jnp.maximum(_mm(comb, r('df_w1')) + r('df_b1'), 0.0),
                  r('df_w2')) + r('df_b2')

  onehot = (jt[...][:, None] ==
            lax.broadcasted_iota(jnp.int32, (jt.shape[0], 2), 1))
  tf = lax.dot_general(onehot.astype(jnp.float32), r('emb'),
                       (((1,), (0,)), ((), ())))
  af = _mm(jnp.maximum(_mm(ja[...], r('ax_w1')) + r('ax_b1'), 0.0),
           r('ax_w2')) + r('ax_b2')
  of = _mm(jnp.maximum(_mm(jov, r('or_w1')) + r('or_b1'), 0.0),
           r('or_w2')) + r('or_b2')
  jc = jnp.concatenate([tf, af, of], axis=1)
  joint_feat = _mm(jnp.maximum(_mm(jc, r('jf_w1')) + r('jf_b1'), 0.0),
                   r('jf_w2')) + r('jf_b2')

  jlf = _mm(jnp.maximum(_mm(jl, r('jm_w1')) + r('jm_b1'), 0.0),
            r('jm_w2')) + r('jm_b2')
  dlf = _mm(jnp.maximum(_mm(dl, r('dm_w1')) + r('dm_b1'), 0.0),
            r('dm_w2')) + r('dm_b2')
  loc = jnp.concatenate([jlf, dlf], axis=1)
  local = _mm(jnp.maximum(_mm(loc, r('lf_w1')) + r('lf_b1'), 0.0),
              r('lf_w2')) + r('lf_b2')
  local = (_mm(joint_feat, r('fs_w')) + r('fs_b')) * local + \
          _mm(joint_feat, r('fsh_w')) + r('fsh_b')
  vi = jnp.concatenate([local, joint_feat, drag_feat], axis=1)
  mu = _mm(vi, r('mu_w')) + r('mu_b')
  lv = _mm(vi, r('lv_w')) + r('lv_b')
  out_ref[...] = jnp.concatenate([mu, lv, g], axis=1)


_HEAD_KEYS = (
    'pc_w3', 'pc_b3',
    'pc_w4', 'pc_b4', 'pc_ln4g', 'pc_ln4b', 'pc_w5', 'pc_b5',
    'de_w1', 'de_b1', 'de_lng', 'de_lnb', 'de_w2', 'de_b2',
    'rp_w1', 'rp_b1', 'rp_lng', 'rp_lnb', 'rp_w2', 'rp_b2',
    'mg_w1', 'mg_b1', 'mg_w2', 'mg_b2',
    'df_w1', 'df_b1', 'df_w2', 'df_b2',
    'emb',
    'ax_w1', 'ax_b1', 'ax_w2', 'ax_b2',
    'or_w1', 'or_b1', 'or_w2', 'or_b2',
    'jf_w1', 'jf_b1', 'jf_w2', 'jf_b2',
    'jm_w1', 'jm_b1', 'jm_w2', 'jm_b2',
    'dm_w1', 'dm_b1', 'dm_w2', 'dm_b2',
    'lf_w1', 'lf_b1', 'lf_w2', 'lf_b2',
    'fs_w', 'fs_b', 'fsh_w', 'fsh_b',
    'mu_w', 'mu_b', 'lv_w', 'lv_b',
)


@jax.jit
def _head_call(gmax, rows, a3, d3, dp, dv, jt, ja, jo, p):
  b = gmax.shape[0]
  refs = {k: p[k] for k in _HEAD_KEYS}
  return pl.pallas_call(
      _head_kernel,
      out_shape=jax.ShapeDtypeStruct((b, 2048), jnp.float32),
  )(gmax, rows, a3, d3, dp, dv, jt.astype(jnp.int32), ja, jo, refs)



def kernel(points, drag_point, drag_vector, joint_type, joint_axis,
           joint_origin, params):
  b, n, _ = points.shape
  centers = jnp.concatenate([joint_origin, drag_point], axis=0)
  cx = jnp.broadcast_to(centers[:, 0:1], (2 * b, 16))
  cy = jnp.broadcast_to(centers[:, 1:2], (2 * b, 16))
  cz = jnp.broadcast_to(centers[:, 2:3], (2 * b, 16))
  pts_t = jnp.transpose(points, (0, 2, 1))
  idx = _sc_topk_call(pts_t, cx, cy, cz)
  idx64 = jnp.concatenate([idx[:b], idx[b:]], axis=1)
  gidx = (idx64 + n * jnp.arange(b, dtype=jnp.int32)[:, None]).reshape(-1)
  gmax, h2n, a3, d3 = _encoder_call(pts_t, params)
  rows = _sc_gather_call(h2n.reshape(b * n, 256), gidx)
  return _head_call(gmax, rows.reshape(b, 64, 256), a3, d3, drag_point,
                    drag_vector, joint_type, joint_axis, joint_origin, params)

# --- scband reference (transcript-rebuilt; emitter-appended) ---
"""Pipeline reference for scband-dual-quaternion-vae-26508538151669 (READ-ONLY COPY).

The authoritative reference and input builder live on the scoring server;
editing this copy changes nothing except your own understanding.
"""

import jax, jax.numpy as jnp
import numpy as np

def _lin(x, w, b):
    return x @ w.T + b

def _ln(x, g, b, eps=1e-5):
    m = x.mean(-1, keepdims=True)
    v = x.var(-1, keepdims=True)
    return (x - m) / jnp.sqrt(v + eps) * g + b

def _gn(x, g, b, groups, eps=1e-5):
    B, C, N = x.shape
    xr = x.reshape(B, groups, C // groups, N)
    m = xr.mean((2, 3), keepdims=True)
    v = xr.var((2, 3), keepdims=True)
    xr = (xr - m) / jnp.sqrt(v + eps)
    return xr.reshape(B, C, N) * g[None, :, None] + b[None, :, None]

def _conv1(x, w, b):
    return jnp.einsum('oc,bcn->bon', w, x) + b[None, :, None]

def _relu(x):
    return jax.nn.relu(x)

def _make_params():
    key = jax.random.key(1)
    c = [0]
    def W(*shape):
        c[0] += 1
        return jax.random.normal(jax.random.fold_in(key, c[0]), shape, dtype=jnp.float32) * 0.02
    z = lambda n: jnp.zeros((n,), jnp.float32)
    o = lambda n: jnp.ones((n,), jnp.float32)
    p = {
        'pc_w1': W(128, 4), 'pc_b1': z(128), 'pc_g1': o(128), 'pc_be1': z(128),
        'pc_w2': W(256, 128), 'pc_b2': z(256), 'pc_g2': o(256), 'pc_be2': z(256),
        'pc_w3': W(1024, 256), 'pc_b3': z(1024), 'pc_g3': o(1024), 'pc_be3': z(1024),
        'pc_w4': W(1024, 1024), 'pc_b4': z(1024), 'pc_ln4g': o(1024), 'pc_ln4b': z(1024),
        'pc_w5': W(1024, 1024), 'pc_b5': z(1024),
        'de_w1': W(256, 6), 'de_b1': z(256), 'de_lng': o(256), 'de_lnb': z(256),
        'de_w2': W(256, 256), 'de_b2': z(256),
        'rp_w1': W(128, 3), 'rp_b1': z(128), 'rp_lng': o(128), 'rp_lnb': z(128),
        'rp_w2': W(128, 128), 'rp_b2': z(128),
        'mg_w1': W(64, 1), 'mg_b1': z(64), 'mg_w2': W(64, 64), 'mg_b2': z(64),
        'df_w1': W(512, 448), 'df_b1': z(512), 'df_w2': W(512, 512), 'df_b2': z(512),
        'emb': W(2, 128),
        'ax_w1': W(128, 3), 'ax_b1': z(128), 'ax_w2': W(256, 128), 'ax_b2': z(256),
        'or_w1': W(128, 3), 'or_b1': z(128), 'or_w2': W(256, 128), 'or_b2': z(256),
        'jf_w1': W(512, 640), 'jf_b1': z(512), 'jf_w2': W(512, 512), 'jf_b2': z(512),
        'jm_w1': W(512, 1024), 'jm_b1': z(512), 'jm_w2': W(512, 512), 'jm_b2': z(512),
        'dm_w1': W(512, 1024), 'dm_b1': z(512), 'dm_w2': W(512, 512), 'dm_b2': z(512),
        'lf_w1': W(512, 1024), 'lf_b1': z(512), 'lf_w2': W(512, 512), 'lf_b2': z(512),
        'fs_w': W(512, 512), 'fs_b': z(512), 'fsh_w': W(512, 512), 'fsh_b': z(512),
        'mu_w': W(512, 1536), 'mu_b': z(512), 'lv_w': W(512, 1536), 'lv_b': z(512),
    }
    return p

def _model(points, drag_point, drag_vector, joint_type, joint_axis, joint_origin, p):
    K = 32
    # PointCloudEncoder (dropout disabled / eval mode)
    x = jnp.swapaxes(points, 1, 2)  # [B, 4, N]
    h = _relu(_gn(_conv1(x, p['pc_w1'], p['pc_b1']), p['pc_g1'], p['pc_be1'], 16))
    h = _relu(_gn(_conv1(h, p['pc_w2'], p['pc_b2']), p['pc_g2'], p['pc_be2'], 32))
    pf = _relu(_gn(_conv1(h, p['pc_w3'], p['pc_b3']), p['pc_g3'], p['pc_be3'], 64))  # [B, 1024, N]
    g = jnp.max(pf, axis=2)
    g = _relu(_ln(_lin(g, p['pc_w4'], p['pc_b4']), p['pc_ln4g'], p['pc_ln4b']))
    g = _lin(g, p['pc_w5'], p['pc_b5'])  # [B, 1024] global features
    # MultiScaleDragEncoder
    di = jnp.concatenate([drag_point, drag_vector], axis=1)
    direction_feat = _lin(_ln(_relu(_lin(di, p['de_w1'], p['de_b1'])), p['de_lng'], p['de_lnb']), p['de_w2'], p['de_b2'])
    rel = drag_point - joint_origin
    relf = _lin(_ln(_relu(_lin(rel, p['rp_w1'], p['rp_b1'])), p['rp_lng'], p['rp_lnb']), p['rp_w2'], p['rp_b2'])
    mag = jnp.linalg.norm(drag_vector, axis=1, keepdims=True)
    magf = _lin(_relu(_lin(mag, p['mg_w1'], p['mg_b1'])), p['mg_w2'], p['mg_b2'])
    comb = jnp.concatenate([direction_feat, relf, magf], axis=1)
    drag_feat = _lin(_relu(_lin(comb, p['df_w1'], p['df_b1'])), p['df_w2'], p['df_b2'])
    # JointConditionEncoder
    tf = jnp.take(p['emb'], joint_type, axis=0)
    af = _lin(_relu(_lin(joint_axis, p['ax_w1'], p['ax_b1'])), p['ax_w2'], p['ax_b2'])
    of = _lin(_relu(_lin(joint_origin, p['or_w1'], p['or_b1'])), p['or_w2'], p['or_b2'])
    jc = jnp.concatenate([tf, af, of], axis=1)
    joint_feat = _lin(_relu(_lin(jc, p['jf_w1'], p['jf_b1'])), p['jf_w2'], p['jf_b2'])
    # LocalFeatureSamplerV10: dual kNN (cdist + topk smallest + gather + max)
    pts = points[:, :, :3]
    def knn_feat(center, w1, b1, w2, b2):
        d = jnp.linalg.norm(pts - center[:, None, :], axis=-1)  # [B, N] == cdist squeezed
        idx = jax.lax.top_k(-d, K)[1]  # smallest-k indices, [B, K]
        feats = jnp.take_along_axis(pf, idx[:, None, :], axis=2)  # [B, 1024, K]
        f = jnp.max(feats, axis=2)
        return _lin(_relu(_lin(f, w1, b1)), w2, b2)
    jl = knn_feat(joint_origin, p['jm_w1'], p['jm_b1'], p['jm_w2'], p['jm_b2'])
    dl = knn_feat(drag_point, p['dm_w1'], p['dm_b1'], p['dm_w2'], p['dm_b2'])
    local = _lin(_relu(_lin(jnp.concatenate([jl, dl], axis=1), p['lf_w1'], p['lf_b1'])), p['lf_w2'], p['lf_b2'])
    # FiLM modulation of local features by joint features
    local = _lin(joint_feat, p['fs_w'], p['fs_b']) * local + _lin(joint_feat, p['fsh_w'], p['fsh_b'])
    vi = jnp.concatenate([local, joint_feat, drag_feat], axis=1)  # [B, 1536]
    mu = _lin(vi, p['mu_w'], p['mu_b'])
    lv = _lin(vi, p['lv_w'], p['lv_b'])
    return jnp.concatenate([mu, lv, g], axis=1)  # [B, 2048]

def setup_inputs(seed: int = 0) -> dict:
    key = jax.random.key(seed)
    ks = jax.random.split(key, 6)
    B, N = 16, 4096
    return {
        'points': jax.random.normal(ks[0], (B, N, 4), dtype=jnp.float32),
        'drag_point': jax.random.normal(ks[1], (B, 3), dtype=jnp.float32),
        'drag_vector': jax.random.normal(ks[2], (B, 3), dtype=jnp.float32),
        'joint_type': jax.random.randint(ks[3], (B,), 0, 2),
        'joint_axis': jax.random.normal(ks[4], (B, 3), dtype=jnp.float32),
        'joint_origin': jax.random.normal(ks[5], (B, 3), dtype=jnp.float32),
        'params': _make_params(),
    }

def reference(points, drag_point, drag_vector, joint_type, joint_axis, joint_origin, params):
    return _model(points, drag_point, drag_vector, joint_type, joint_axis, joint_origin, params)

if __name__ == "__main__":
    import jax
    _d = setup_inputs()
    print(jax.jit(kernel)(*tuple(_d.values())))

</pallas_src>

<mosaic_0001>
#map = affine_map<(d0, d1) -> (0, 0, 0)>
#map1 = affine_map<(d0, d1) -> (0, 0)>
module attributes {stable_mosaic.version = 14 : i64} {
  func.func @_sc_topk_kernel(%arg0: i32, %arg1: i32, %arg2: memref<16x4x4096xf32, #tpu.memory_space<hbm>>, %arg3: memref<32x16xf32, #tpu.memory_space<hbm>>, %arg4: memref<32x16xf32, #tpu.memory_space<hbm>>, %arg5: memref<32x16xf32, #tpu.memory_space<hbm>>, %arg6: memref<32x32xi32, #tpu.memory_space<hbm>>, %arg7: memref<4096xf32, #tpu.memory_space<vmem>>, %arg8: memref<4096xf32, #tpu.memory_space<vmem>>, %arg9: memref<4096xf32, #tpu.memory_space<vmem>>, %arg10: memref<3x16xf32, #tpu.memory_space<vmem>>, %arg11: memref<32xi32, #tpu.memory_space<vmem>>, %arg12: memref<!tpu.dma_semaphore, #tpu.memory_space<semaphore_mem>>) attributes {dimension_semantics = [#tpu.dimension_semantics<core_parallel>, #tpu.dimension_semantics<subcore_parallel>], iteration_bounds = array<i64: 2, 16>, scalar_prefetch = 0 : i64, scratch_operands = 6 : i64, tpu.core_type = #tpu.core_type<sc_vector_subcore>, window_params = [{transform_indices = #map}, {transform_indices = #map1}, {transform_indices = #map1}, {transform_indices = #map1}, {transform_indices = #map1}]} {
    %mul3A = arith.constant 16 : i32
    %mul3A_0 = arith.muli %arg0, %mul3A : i32
    %add3A = arith.addi %mul3A_0, %arg1 : i32
    %run_scoped3A = arith.constant 0 : i32
    "tpu.region"() ({
      %run_scoped3A_210 = tpu.sem_alloc : memref<!tpu.dma_semaphore, #tpu.memory_space<semaphore_mem>>
      %dma_start3A = arith.constant 0 : i32
      %dma_start3A_211 = tpu.memref_slice %arg2[%arg1, %run_scoped3A, %dma_start3A] : memref<16x4x4096xf32, #tpu.memory_space<hbm>> -> memref<1x1x4096xf32, #tpu.memory_space<hbm>>
      %dma_start3A_212 = tpu.memref_squeeze %dma_start3A_211 : memref<1x1x4096xf32, #tpu.memory_space<hbm>> -> memref<4096xf32, #tpu.memory_space<hbm>>
      %dma_start3A_213 = arith.constant 0 : i32
      %dma_start3A_214 = tpu.memref_slice %arg2[%arg1, %run_scoped3A, %dma_start3A_213] : memref<16x4x4096xf32, #tpu.memory_space<hbm>> -> memref<1x1x4096xf32, #tpu.memory_space<hbm>>
      %dma_start3A_215 = tpu.memref_squeeze %dma_start3A_214 : memref<1x1x4096xf32, #tpu.memory_space<hbm>> -> memref<4096xf32, #tpu.memory_space<hbm>>
      tpu.enqueue_dma source(%dma_start3A_215 : memref<4096xf32, #tpu.memory_space<hbm>>) target(%arg7 : memref<4096xf32, #tpu.memory_space<vmem>>) target_semaphore(%run_scoped3A_210 : memref<!tpu.dma_semaphore, #tpu.memory_space<semaphore_mem>>)
      %dma_wait3A = arith.constant 0 : i32
      %dma_wait3A_216 = tpu.memref_slice %arg2[%arg1, %run_scoped3A, %dma_wait3A] : memref<16x4x4096xf32, #tpu.memory_space<hbm>> -> memref<1x1x4096xf32, #tpu.memory_space<hbm>>
      %dma_wait3A_217 = tpu.memref_squeeze %dma_wait3A_216 : memref<1x1x4096xf32, #tpu.memory_space<hbm>> -> memref<4096xf32, #tpu.memory_space<hbm>>
      %dma_wait3A_218 = arith.constant 0 : i32
      %dma_wait3A_219 = tpu.memref_slice %arg2[%arg1, %run_scoped3A, %dma_wait3A_218] : memref<16x4x4096xf32, #tpu.memory_space<hbm>> -> memref<1x1x4096xf32, #tpu.memory_space<hbm>>
      %dma_wait3A_220 = tpu.memref_squeeze %dma_wait3A_219 : memref<1x1x4096xf32, #tpu.memory_space<hbm>> -> memref<4096xf32, #tpu.memory_space<hbm>>
      tpu.wait_dma2 semaphore(%run_scoped3A_210 : memref<!tpu.dma_semaphore, #tpu.memory_space<semaphore_mem>>) src(%dma_wait3A_220 : memref<4096xf32, #tpu.memory_space<hbm>>) dst(%arg7 : memref<4096xf32, #tpu.memory_space<vmem>>)
      tpu.yield
    }) : () -> ()
    %run_scoped3A_1 = arith.constant 1 : i32
    "tpu.region"() ({
      %run_scoped3A_210 = tpu.sem_alloc : memref<!tpu.dma_semaphore, #tpu.memory_space<semaphore_mem>>
      %dma_start3A = arith.constant 0 : i32
      %dma_start3A_211 = tpu.memref_slice %arg2[%arg1, %run_scoped3A_1, %dma_start3A] : memref<16x4x4096xf32, #tpu.memory_space<hbm>> -> memref<1x1x4096xf32, #tpu.memory_space<hbm>>
      %dma_start3A_212 = tpu.memref_squeeze %dma_start3A_211 : memref<1x1x4096xf32, #tpu.memory_space<hbm>> -> memref<4096xf32, #tpu.memory_space<hbm>>
      %dma_start3A_213 = arith.constant 0 : i32
      %dma_start3A_214 = tpu.memref_slice %arg2[%arg1, %run_scoped3A_1, %dma_start3A_213] : memref<16x4x4096xf32, #tpu.memory_space<hbm>> -> memref<1x1x4096xf32, #tpu.memory_space<hbm>>
      %dma_start3A_215 = tpu.memref_squeeze %dma_start3A_214 : memref<1x1x4096xf32, #tpu.memory_space<hbm>> -> memref<4096xf32, #tpu.memory_space<hbm>>
      tpu.enqueue_dma source(%dma_start3A_215 : memref<4096xf32, #tpu.memory_space<hbm>>) target(%arg8 : memref<4096xf32, #tpu.memory_space<vmem>>) target_semaphore(%run_scoped3A_210 : memref<!tpu.dma_semaphore, #tpu.memory_space<semaphore_mem>>)
      %dma_wait3A = arith.constant 0 : i32
      %dma_wait3A_216 = tpu.memref_slice %arg2[%arg1, %run_scoped3A_1, %dma_wait3A] : memref<16x4x4096xf32, #tpu.memory_space<hbm>> -> memref<1x1x4096xf32, #tpu.memory_space<hbm>>
      %dma_wait3A_217 = tpu.memref_squeeze %dma_wait3A_216 : memref<1x1x4096xf32, #tpu.memory_space<hbm>> -> memref<4096xf32, #tpu.memory_space<hbm>>
      %dma_wait3A_218 = arith.constant 0 : i32
      %dma_wait3A_219 = tpu.memref_slice %arg2[%arg1, %run_scoped3A_1, %dma_wait3A_218] : memref<16x4x4096xf32, #tpu.memory_space<hbm>> -> memref<1x1x4096xf32, #tpu.memory_space<hbm>>
      %dma_wait3A_220 = tpu.memref_squeeze %dma_wait3A_219 : memref<1x1x4096xf32, #tpu.memory_space<hbm>> -> memref<4096xf32, #tpu.memory_space<hbm>>
      tpu.wait_dma2 semaphore(%run_scoped3A_210 : memref<!tpu.dma_semaphore, #tpu.memory_space<semaphore_mem>>) src(%dma_wait3A_220 : memref<4096xf32, #tpu.memory_space<hbm>>) dst(%arg8 : memref<4096xf32, #tpu.memory_space<vmem>>)
      tpu.yield
    }) : () -> ()
    %run_scoped3A_2 = arith.constant 2 : i32
    "tpu.region"() ({
      %run_scoped3A_210 = tpu.sem_alloc : memref<!tpu.dma_semaphore, #tpu.memory_space<semaphore_mem>>
      %dma_start3A = arith.constant 0 : i32
      %dma_start3A_211 = tpu.memref_slice %arg2[%arg1, %run_scoped3A_2, %dma_start3A] : memref<16x4x4096xf32, #tpu.memory_space<hbm>> -> memref<1x1x4096xf32, #tpu.memory_space<hbm>>
      %dma_start3A_212 = tpu.memref_squeeze %dma_start3A_211 : memref<1x1x4096xf32, #tpu.memory_space<hbm>> -> memref<4096xf32, #tpu.memory_space<hbm>>
      %dma_start3A_213 = arith.constant 0 : i32
      %dma_start3A_214 = tpu.memref_slice %arg2[%arg1, %run_scoped3A_2, %dma_start3A_213] : memref<16x4x4096xf32, #tpu.memory_space<hbm>> -> memref<1x1x4096xf32, #tpu.memory_space<hbm>>
      %dma_start3A_215 = tpu.memref_squeeze %dma_start3A_214 : memref<1x1x4096xf32, #tpu.memory_space<hbm>> -> memref<4096xf32, #tpu.memory_space<hbm>>
      tpu.enqueue_dma source(%dma_start3A_215 : memref<4096xf32, #tpu.memory_space<hbm>>) target(%arg9 : memref<4096xf32, #tpu.memory_space<vmem>>) target_semaphore(%run_scoped3A_210 : memref<!tpu.dma_semaphore, #tpu.memory_space<semaphore_mem>>)
      %dma_wait3A = arith.constant 0 : i32
      %dma_wait3A_216 = tpu.memref_slice %arg2[%arg1, %run_scoped3A_2, %dma_wait3A] : memref<16x4x4096xf32, #tpu.memory_space<hbm>> -> memref<1x1x4096xf32, #tpu.memory_space<hbm>>
      %dma_wait3A_217 = tpu.memref_squeeze %dma_wait3A_216 : memref<1x1x4096xf32, #tpu.memory_space<hbm>> -> memref<4096xf32, #tpu.memory_space<hbm>>
      %dma_wait3A_218 = arith.constant 0 : i32
      %dma_wait3A_219 = tpu.memref_slice %arg2[%arg1, %run_scoped3A_2, %dma_wait3A_218] : memref<16x4x4096xf32, #tpu.memory_space<hbm>> -> memref<1x1x4096xf32, #tpu.memory_space<hbm>>
      %dma_wait3A_220 = tpu.memref_squeeze %dma_wait3A_219 : memref<1x1x4096xf32, #tpu.memory_space<hbm>> -> memref<4096xf32, #tpu.memory_space<hbm>>
      tpu.wait_dma2 semaphore(%run_scoped3A_210 : memref<!tpu.dma_semaphore, #tpu.memory_space<semaphore_mem>>) src(%dma_wait3A_220 : memref<4096xf32, #tpu.memory_space<hbm>>) dst(%arg9 : memref<4096xf32, #tpu.memory_space<vmem>>)
      tpu.yield
    }) : () -> ()
    %run_scoped3A_3 = arith.constant 0 : i32
    "tpu.region"() ({
      %run_scoped3A_210 = tpu.sem_alloc : memref<!tpu.dma_semaphore, #tpu.memory_space<semaphore_mem>>
      %dma_start3A = arith.constant 0 : i32
      %dma_start3A_211 = tpu.memref_slice %arg10[%run_scoped3A_3, %dma_start3A] : memref<3x16xf32, #tpu.memory_space<vmem>> -> memref<1x16xf32, #tpu.memory_space<vmem>>
      %dma_start3A_212 = tpu.memref_squeeze %dma_start3A_211 : memref<1x16xf32, #tpu.memory_space<vmem>> -> memref<16xf32, #tpu.memory_space<vmem>>
      %dma_start3A_213 = arith.constant 0 : i32
      %dma_start3A_214 = tpu.memref_slice %arg3[%add3A, %dma_start3A_213] : memref<32x16xf32, #tpu.memory_space<hbm>> -> memref<1x16xf32, #tpu.memory_space<hbm>>
      %dma_start3A_215 = tpu.memref_squeeze %dma_start3A_214 : memref<1x16xf32, #tpu.memory_space<hbm>> -> memref<16xf32, #tpu.memory_space<hbm>>
      %dma_start3A_216 = arith.constant 0 : i32
      %dma_start3A_217 = tpu.memref_slice %arg10[%run_scoped3A_3, %dma_start3A_216] : memref<3x16xf32, #tpu.memory_space<vmem>> -> memref<1x16xf32, #tpu.memory_space<vmem>>
      %dma_start3A_218 = tpu.memref_squeeze %dma_start3A_217 : memref<1x16xf32, #tpu.memory_space<vmem>> -> memref<16xf32, #tpu.memory_space<vmem>>
      %dma_start3A_219 = arith.constant 0 : i32
      %dma_start3A_220 = tpu.memref_slice %arg3[%add3A, %dma_start3A_219] : memref<32x16xf32, #tpu.memory_space<hbm>> -> memref<1x16xf32, #tpu.memory_space<hbm>>
      %dma_start3A_221 = tpu.memref_squeeze %dma_start3A_220 : memref<1x16xf32, #tpu.memory_space<hbm>> -> memref<16xf32, #tpu.memory_space<hbm>>
      tpu.enqueue_dma source(%dma_start3A_221 : memref<16xf32, #tpu.memory_space<hbm>>) target(%dma_start3A_218 : memref<16xf32, #tpu.memory_space<vmem>>) target_semaphore(%run_scoped3A_210 : memref<!tpu.dma_semaphore, #tpu.memory_space<semaphore_mem>>)
      %dma_wait3A = arith.constant 0 : i32
      %dma_wait3A_222 = tpu.memref_slice %arg10[%run_scoped3A_3, %dma_wait3A] : memref<3x16xf32, #tpu.memory_space<vmem>> -> memref<1x16xf32, #tpu.memory_space<vmem>>
      %dma_wait3A_223 = tpu.memref_squeeze %dma_wait3A_222 : memref<1x16xf32, #tpu.memory_space<vmem>> -> memref<16xf32, #tpu.memory_space<vmem>>
      %dma_wait3A_224 = arith.constant 0 : i32
      %dma_wait3A_225 = tpu.memref_slice %arg3[%add3A, %dma_wait3A_224] : memref<32x16xf32, #tpu.memory_space<hbm>> -> memref<1x16xf32, #tpu.memory_space<hbm>>
      %dma_wait3A_226 = tpu.memref_squeeze %dma_wait3A_225 : memref<1x16xf32, #tpu.memory_space<hbm>> -> memref<16xf32, #tpu.memory_space<hbm>>
      %dma_wait3A_227 = arith.constant 0 : i32
      %dma_wait3A_228 = tpu.memref_slice %arg10[%run_scoped3A_3, %dma_wait3A_227] : memref<3x16xf32, #tpu.memory_space<vmem>> -> memref<1x16xf32, #tpu.memory_space<vmem>>
      %dma_wait3A_229 = tpu.memref_squeeze %dma_wait3A_228 : memref<1x16xf32, #tpu.memory_space<vmem>> -> memref<16xf32, #tpu.memory_space<vmem>>
      %dma_wait3A_230 = arith.constant 0 : i32
      %dma_wait3A_231 = tpu.memref_slice %arg3[%add3A, %dma_wait3A_230] : memref<32x16xf32, #tpu.memory_space<hbm>> -> memref<1x16xf32, #tpu.memory_space<hbm>>
      %dma_wait3A_232 = tpu.memref_squeeze %dma_wait3A_231 : memref<1x16xf32, #tpu.memory_space<hbm>> -> memref<16xf32, #tpu.memory_space<hbm>>
      tpu.wait_dma2 semaphore(%run_scoped3A_210 : memref<!tpu.dma_semaphore, #tpu.memory_space<semaphore_mem>>) src(%dma_wait3A_232 : memref<16xf32, #tpu.memory_space<hbm>>) dst(%dma_wait3A_229 : memref<16xf32, #tpu.memory_space<vmem>>)
      tpu.yield
    }) : () -> ()
    %run_scoped3A_4 = arith.constant 1 : i32
    "tpu.region"() ({
      %run_scoped3A_210 = tpu.sem_alloc : memref<!tpu.dma_semaphore, #tpu.memory_space<semaphore_mem>>
      %dma_start3A = arith.constant 0 : i32
      %dma_start3A_211 = tpu.memref_slice %arg10[%run_scoped3A_4, %dma_start3A] : memref<3x16xf32, #tpu.memory_space<vmem>> -> memref<1x16xf32, #tpu.memory_space<vmem>>
      %dma_start3A_212 = tpu.memref_squeeze %dma_start3A_211 : memref<1x16xf32, #tpu.memory_space<vmem>> -> memref<16xf32, #tpu.memory_space<vmem>>
      %dma_start3A_213 = arith.constant 0 : i32
      %dma_start3A_214 = tpu.memref_slice %arg4[%add3A, %dma_start3A_213] : memref<32x16xf32, #tpu.memory_space<hbm>> -> memref<1x16xf32, #tpu.memory_space<hbm>>
      %dma_start3A_215 = tpu.memref_squeeze %dma_start3A_214 : memref<1x16xf32, #tpu.memory_space<hbm>> -> memref<16xf32, #tpu.memory_space<hbm>>
      %dma_start3A_216 = arith.constant 0 : i32
      %dma_start3A_217 = tpu.memref_slice %arg10[%run_scoped3A_4, %dma_start3A_216] : memref<3x16xf32, #tpu.memory_space<vmem>> -> memref<1x16xf32, #tpu.memory_space<vmem>>
      %dma_start3A_218 = tpu.memref_squeeze %dma_start3A_217 : memref<1x16xf32, #tpu.memory_space<vmem>> -> memref<16xf32, #tpu.memory_space<vmem>>
      %dma_start3A_219 = arith.constant 0 : i32
      %dma_start3A_220 = tpu.memref_slice %arg4[%add3A, %dma_start3A_219] : memref<32x16xf32, #tpu.memory_space<hbm>> -> memref<1x16xf32, #tpu.memory_space<hbm>>
      %dma_start3A_221 = tpu.memref_squeeze %dma_start3A_220 : memref<1x16xf32, #tpu.memory_space<hbm>> -> memref<16xf32, #tpu.memory_space<hbm>>
      tpu.enqueue_dma source(%dma_start3A_221 : memref<16xf32, #tpu.memory_space<hbm>>) target(%dma_start3A_218 : memref<16xf32, #tpu.memory_space<vmem>>) target_semaphore(%run_scoped3A_210 : memref<!tpu.dma_semaphore, #tpu.memory_space<semaphore_mem>>)
      %dma_wait3A = arith.constant 0 : i32
      %dma_wait3A_222 = tpu.memref_slice %arg10[%run_scoped3A_4, %dma_wait3A] : memref<3x16xf32, #tpu.memory_space<vmem>> -> memref<1x16xf32, #tpu.memory_space<vmem>>
      %dma_wait3A_223 = tpu.memref_squeeze %dma_wait3A_222 : memref<1x16xf32, #tpu.memory_space<vmem>> -> memref<16xf32, #tpu.memory_space<vmem>>
      %dma_wait3A_224 = arith.constant 0 : i32
      %dma_wait3A_225 = tpu.memref_slice %arg4[%add3A, %dma_wait3A_224] : memref<32x16xf32, #tpu.memory_space<hbm>> -> memref<1x16xf32, #tpu.memory_space<hbm>>
      %dma_wait3A_226 = tpu.memref_squeeze %dma_wait3A_225 : memref<1x16xf32, #tpu.memory_space<hbm>> -> memref<16xf32, #tpu.memory_space<hbm>>
      %dma_wait3A_227 = arith.constant 0 : i32
      %dma_wait3A_228 = tpu.memref_slice %arg10[%run_scoped3A_4, %dma_wait3A_227] : memref<3x16xf32, #tpu.memory_space<vmem>> -> memref<1x16xf32, #tpu.memory_space<vmem>>
      %dma_wait3A_229 = tpu.memref_squeeze %dma_wait3A_228 : memref<1x16xf32, #tpu.memory_space<vmem>> -> memref<16xf32, #tpu.memory_space<vmem>>
      %dma_wait3A_230 = arith.constant 0 : i32
      %dma_wait3A_231 = tpu.memref_slice %arg4[%add3A, %dma_wait3A_230] : memref<32x16xf32, #tpu.memory_space<hbm>> -> memref<1x16xf32, #tpu.memory_space<hbm>>
      %dma_wait3A_232 = tpu.memref_squeeze %dma_wait3A_231 : memref<1x16xf32, #tpu.memory_space<hbm>> -> memref<16xf32, #tpu.memory_space<hbm>>
      tpu.wait_dma2 semaphore(%run_scoped3A_210 : memref<!tpu.dma_semaphore, #tpu.memory_space<semaphore_mem>>) src(%dma_wait3A_232 : memref<16xf32, #tpu.memory_space<hbm>>) dst(%dma_wait3A_229 : memref<16xf32, #tpu.memory_space<vmem>>)
      tpu.yield
    }) : () -> ()
    %run_scoped3A_5 = arith.constant 2 : i32
    "tpu.region"() ({
      %run_scoped3A_210 = tpu.sem_alloc : memref<!tpu.dma_semaphore, #tpu.memory_space<semaphore_mem>>
      %dma_start3A = arith.constant 0 : i32
      %dma_start3A_211 = tpu.memref_slice %arg10[%run_scoped3A_5, %dma_start3A] : memref<3x16xf32, #tpu.memory_space<vmem>> -> memref<1x16xf32, #tpu.memory_space<vmem>>
      %dma_start3A_212 = tpu.memref_squeeze %dma_start3A_211 : memref<1x16xf32, #tpu.memory_space<vmem>> -> memref<16xf32, #tpu.memory_space<vmem>>
      %dma_start3A_213 = arith.constant 0 : i32
      %dma_start3A_214 = tpu.memref_slice %arg5[%add3A, %dma_start3A_213] : memref<32x16xf32, #tpu.memory_space<hbm>> -> memref<1x16xf32, #tpu.memory_space<hbm>>
      %dma_start3A_215 = tpu.memref_squeeze %dma_start3A_214 : memref<1x16xf32, #tpu.memory_space<hbm>> -> memref<16xf32, #tpu.memory_space<hbm>>
      %dma_start3A_216 = arith.constant 0 : i32
      %dma_start3A_217 = tpu.memref_slice %arg10[%run_scoped3A_5, %dma_start3A_216] : memref<3x16xf32, #tpu.memory_space<vmem>> -> memref<1x16xf32, #tpu.memory_space<vmem>>
      %dma_start3A_218 = tpu.memref_squeeze %dma_start3A_217 : memref<1x16xf32, #tpu.memory_space<vmem>> -> memref<16xf32, #tpu.memory_space<vmem>>
      %dma_start3A_219 = arith.constant 0 : i32
      %dma_start3A_220 = tpu.memref_slice %arg5[%add3A, %dma_start3A_219] : memref<32x16xf32, #tpu.memory_space<hbm>> -> memref<1x16xf32, #tpu.memory_space<hbm>>
      %dma_start3A_221 = tpu.memref_squeeze %dma_start3A_220 : memref<1x16xf32, #tpu.memory_space<hbm>> -> memref<16xf32, #tpu.memory_space<hbm>>
      tpu.enqueue_dma source(%dma_start3A_221 : memref<16xf32, #tpu.memory_space<hbm>>) target(%dma_start3A_218 : memref<16xf32, #tpu.memory_space<vmem>>) target_semaphore(%run_scoped3A_210 : memref<!tpu.dma_semaphore, #tpu.memory_space<semaphore_mem>>)
      %dma_wait3A = arith.constant 0 : i32
      %dma_wait3A_222 = tpu.memref_slice %arg10[%run_scoped3A_5, %dma_wait3A] : memref<3x16xf32, #tpu.memory_space<vmem>> -> memref<1x16xf32, #tpu.memory_space<vmem>>
      %dma_wait3A_223 = tpu.memref_squeeze %dma_wait3A_222 : memref<1x16xf32, #tpu.memory_space<vmem>> -> memref<16xf32, #tpu.memory_space<vmem>>
      %dma_wait3A_224 = arith.constant 0 : i32
      %dma_wait3A_225 = tpu.memref_slice %arg5[%add3A, %dma_wait3A_224] : memref<32x16xf32, #tpu.memory_space<hbm>> -> memref<1x16xf32, #tpu.memory_space<hbm>>
      %dma_wait3A_226 = tpu.memref_squeeze %dma_wait3A_225 : memref<1x16xf32, #tpu.memory_space<hbm>> -> memref<16xf32, #tpu.memory_space<hbm>>
      %dma_wait3A_227 = arith.constant 0 : i32
      %dma_wait3A_228 = tpu.memref_slice %arg10[%run_scoped3A_5, %dma_wait3A_227] : memref<3x16xf32, #tpu.memory_space<vmem>> -> memref<1x16xf32, #tpu.memory_space<vmem>>
      %dma_wait3A_229 = tpu.memref_squeeze %dma_wait3A_228 : memref<1x16xf32, #tpu.memory_space<vmem>> -> memref<16xf32, #tpu.memory_space<vmem>>
      %dma_wait3A_230 = arith.constant 0 : i32
      %dma_wait3A_231 = tpu.memref_slice %arg5[%add3A, %dma_wait3A_230] : memref<32x16xf32, #tpu.memory_space<hbm>> -> memref<1x16xf32, #tpu.memory_space<hbm>>
      %dma_wait3A_232 = tpu.memref_squeeze %dma_wait3A_231 : memref<1x16xf32, #tpu.memory_space<hbm>> -> memref<16xf32, #tpu.memory_space<hbm>>
      tpu.wait_dma2 semaphore(%run_scoped3A_210 : memref<!tpu.dma_semaphore, #tpu.memory_space<semaphore_mem>>) src(%dma_wait3A_232 : memref<16xf32, #tpu.memory_space<hbm>>) dst(%dma_wait3A_229 : memref<16xf32, #tpu.memory_space<vmem>>)
      tpu.yield
    }) : () -> ()
    %get3A = arith.constant 0 : i32
    %get3A_6 = arith.index_cast %get3A : i32 to index
    %get3A_7 = arith.constant 0 : index
    %get3A_8 = tpu.vector_load %arg10[%get3A_6, %get3A_7] {strides = array<i32>} : memref<3x16xf32, #tpu.memory_space<vmem>>, vector<16xf32>,
    %get3A_9 = arith.constant 1 : i32
    %get3A_10 = arith.index_cast %get3A_9 : i32 to index
    %get3A_11 = arith.constant 0 : index
    %get3A_12 = tpu.vector_load %arg10[%get3A_10, %get3A_11] {strides = array<i32>} : memref<3x16xf32, #tpu.memory_space<vmem>>, vector<16xf32>,
    %get3A_13 = arith.constant 2 : i32
    %get3A_14 = arith.index_cast %get3A_13 : i32 to index
    %get3A_15 = arith.constant 0 : index
    %get3A_16 = tpu.vector_load %arg10[%get3A_14, %get3A_15] {strides = array<i32>} : memref<3x16xf32, #tpu.memory_space<vmem>>, vector<16xf32>,
    %iota3A = tpu.iota {dimensions = array<i32: 0>} : vector<16xi32>
    %get3A_17 = arith.constant 0 : index
    %get3A_18 = tpu.vector_load %arg7[%get3A_17] {strides = array<i32>} : memref<4096xf32, #tpu.memory_space<vmem>>, vector<16xf32>,
    %sub3A = arith.subf %get3A_18, %get3A_8 : vector<16xf32>
    %get3A_19 = arith.constant 0 : index
    %get3A_20 = tpu.vector_load %arg8[%get3A_19] {strides = array<i32>} : memref<4096xf32, #tpu.memory_space<vmem>>, vector<16xf32>,
    %sub3A_21 = arith.subf %get3A_20, %get3A_12 : vector<16xf32>
    %get3A_22 = arith.constant 0 : index
    %get3A_23 = tpu.vector_load %arg9[%get3A_22] {strides = array<i32>} : memref<4096xf32, #tpu.memory_space<vmem>>, vector<16xf32>,
    %sub3A_24 = arith.subf %get3A_23, %get3A_16 : vector<16xf32>
    %mul3A_25 = arith.mulf %sub3A, %sub3A : vector<16xf32>
    %mul3A_26 = arith.mulf %sub3A_21, %sub3A_21 : vector<16xf32>
    %add3A_27 = arith.addf %mul3A_25, %mul3A_26 : vector<16xf32>
    %mul3A_28 = arith.mulf %sub3A_24, %sub3A_24 : vector<16xf32>
    %add3A_29 = arith.addf %add3A_27, %mul3A_28 : vector<16xf32>
    %add3A_30 = arith.constant 0 : i32
    %add3A_31 = vector.broadcast %add3A_30 : i32 to vector<16xi32>
    %add3A_32 = arith.addi %iota3A, %add3A_31 : vector<16xi32>
    %get3A_33 = arith.constant 16 : index
    %get3A_34 = tpu.vector_load %arg7[%get3A_33] {strides = array<i32>} : memref<4096xf32, #tpu.memory_space<vmem>>, vector<16xf32>,
    %sub3A_35 = arith.subf %get3A_34, %get3A_8 : vector<16xf32>
    %get3A_36 = arith.constant 16 : index
    %get3A_37 = tpu.vector_load %arg8[%get3A_36] {strides = array<i32>} : memref<4096xf32, #tpu.memory_space<vmem>>, vector<16xf32>,
    %sub3A_38 = arith.subf %get3A_37, %get3A_12 : vector<16xf32>
    %get3A_39 = arith.constant 16 : index
    %get3A_40 = tpu.vector_load %arg9[%get3A_39] {strides = array<i32>} : memref<4096xf32, #tpu.memory_space<vmem>>, vector<16xf32>,
    %sub3A_41 = arith.subf %get3A_40, %get3A_16 : vector<16xf32>
    %mul3A_42 = arith.mulf %sub3A_35, %sub3A_35 : vector<16xf32>
    %mul3A_43 = arith.mulf %sub3A_38, %sub3A_38 : vector<16xf32>
    %add3A_44 = arith.addf %mul3A_42, %mul3A_43 : vector<16xf32>
    %mul3A_45 = arith.mulf %sub3A_41, %sub3A_41 : vector<16xf32>
    %add3A_46 = arith.addf %add3A_44, %mul3A_45 : vector<16xf32>
    %add3A_47 = arith.constant 16 : i32
    %add3A_48 = vector.broadcast %add3A_47 : i32 to vector<16xi32>
    %add3A_49 = arith.addi %iota3A, %add3A_48 : vector<16xi32>
    %masked_sort3A = arith.constant dense<true> : vector<16xi1>
    %masked_sort3A_50, %masked_sort3A_51, %masked_sort3A_52 = tpu.sort %add3A_29, %add3A_32 masked %masked_sort3A : (vector<16xf32>, vector<16xi32>, vector<16xi1>) -> (vector<16xi1>, vector<16xf32>, vector<16xi32>)
    %masked_sort3A_53 = arith.constant dense<true> : vector<16xi1>
    %masked_sort3A_54, %masked_sort3A_55, %masked_sort3A_56 = tpu.sort %add3A_46, %add3A_49 masked %masked_sort3A_53 : (vector<16xf32>, vector<16xi32>, vector<16xi1>) -> (vector<16xi1>, vector<16xf32>, vector<16xi32>)
    %rev3A = arith.constant 15 : i32
    %rev3A_57 = vector.broadcast %rev3A : i32 to vector<16xi32>
    %rev3A_58 = tpu.iota {dimensions = array<i32: 0>} : vector<16xi32>
    %rev3A_59 = arith.subi %rev3A_57, %rev3A_58 : vector<16xi32>
    %rev3A_60 = tpu.dynamic_gather %masked_sort3A_55[%rev3A_59] in [0] : vector<16xf32>, vector<16xi32> -> vector<16xf32>
    %rev3A_61 = arith.constant 15 : i32
    %rev3A_62 = vector.broadcast %rev3A_61 : i32 to vector<16xi32>
    %rev3A_63 = tpu.iota {dimensions = array<i32: 0>} : vector<16xi32>
    %rev3A_64 = arith.subi %rev3A_62, %rev3A_63 : vector<16xi32>
    %rev3A_65 = tpu.dynamic_gather %masked_sort3A_56[%rev3A_64] in [0] : vector<16xi32>, vector<16xi32> -> vector<16xi32>
    %le3A = arith.cmpf ole, %masked_sort3A_51, %rev3A_60 : vector<16xf32>
    %select_n3A = arith.select %le3A, %masked_sort3A_51, %rev3A_60 : vector<16xi1>, vector<16xf32>
    %select_n3A_66 = arith.select %le3A, %masked_sort3A_52, %rev3A_65 : vector<16xi1>, vector<16xi32>
    %select_n3A_67 = arith.select %le3A, %rev3A_60, %masked_sort3A_51 : vector<16xi1>, vector<16xf32>
    %select_n3A_68 = arith.select %le3A, %rev3A_65, %masked_sort3A_52 : vector<16xi1>, vector<16xi32>
    %masked_sort3A_69 = arith.constant dense<true> : vector<16xi1>
    %masked_sort3A_70, %masked_sort3A_71, %masked_sort3A_72 = tpu.sort %select_n3A, %select_n3A_66 masked %masked_sort3A_69 : (vector<16xf32>, vector<16xi32>, vector<16xi1>) -> (vector<16xi1>, vector<16xf32>, vector<16xi32>)
    %masked_sort3A_73 = arith.constant dense<true> : vector<16xi1>
    %masked_sort3A_74, %masked_sort3A_75, %masked_sort3A_76 = tpu.sort %select_n3A_67, %select_n3A_68 masked %masked_sort3A_73 : (vector<16xf32>, vector<16xi32>, vector<16xi1>) -> (vector<16xi1>, vector<16xf32>, vector<16xi32>)
    %get3A_77 = arith.constant 32 : index
    %get3A_78 = tpu.vector_load %arg7[%get3A_77] {strides = array<i32>} : memref<4096xf32, #tpu.memory_space<vmem>>, vector<16xf32>,
    %sub3A_79 = arith.subf %get3A_78, %get3A_8 : vector<16xf32>
    %get3A_80 = arith.constant 32 : index
    %get3A_81 = tpu.vector_load %arg8[%get3A_80] {strides = array<i32>} : memref<4096xf32, #tpu.memory_space<vmem>>, vector<16xf32>,
    %sub3A_82 = arith.subf %get3A_81, %get3A_12 : vector<16xf32>
    %get3A_83 = arith.constant 32 : index
    %get3A_84 = tpu.vector_load %arg9[%get3A_83] {strides = array<i32>} : memref<4096xf32, #tpu.memory_space<vmem>>, vector<16xf32>,
    %sub3A_85 = arith.subf %get3A_84, %get3A_16 : vector<16xf32>
    %mul3A_86 = arith.mulf %sub3A_79, %sub3A_79 : vector<16xf32>
    %mul3A_87 = arith.mulf %sub3A_82, %sub3A_82 : vector<16xf32>
    %add3A_88 = arith.addf %mul3A_86, %mul3A_87 : vector<16xf32>
    %mul3A_89 = arith.mulf %sub3A_85, %sub3A_85 : vector<16xf32>
    %add3A_90 = arith.addf %add3A_88, %mul3A_89 : vector<16xf32>
    %add3A_91 = arith.constant 32 : i32
    %add3A_92 = vector.broadcast %add3A_91 : i32 to vector<16xi32>
    %add3A_93 = arith.addi %iota3A, %add3A_92 : vector<16xi32>
    %masked_sort3A_94 = arith.constant dense<true> : vector<16xi1>
    %masked_sort3A_95, %masked_sort3A_96, %masked_sort3A_97 = tpu.sort %add3A_90, %add3A_93 masked %masked_sort3A_94 : (vector<16xf32>, vector<16xi32>, vector<16xi1>) -> (vector<16xi1>, vector<16xf32>, vector<16xi32>)
    %rev3A_98 = arith.constant 15 : i32
    %rev3A_99 = vector.broadcast %rev3A_98 : i32 to vector<16xi32>
    %rev3A_100 = tpu.iota {dimensions = array<i32: 0>} : vector<16xi32>
    %rev3A_101 = arith.subi %rev3A_99, %rev3A_100 : vector<16xi32>
    %rev3A_102 = tpu.dynamic_gather %masked_sort3A_96[%rev3A_101] in [0] : vector<16xf32>, vector<16xi32> -> vector<16xf32>
    %rev3A_103 = arith.constant 15 : i32
    %rev3A_104 = vector.broadcast %rev3A_103 : i32 to vector<16xi32>
    %rev3A_105 = tpu.iota {dimensions = array<i32: 0>} : vector<16xi32>
    %rev3A_106 = arith.subi %rev3A_104, %rev3A_105 : vector<16xi32>
    %rev3A_107 = tpu.dynamic_gather %masked_sort3A_97[%rev3A_106] in [0] : vector<16xi32>, vector<16xi32> -> vector<16xi32>
    %le3A_108 = arith.cmpf ole, %masked_sort3A_75, %rev3A_102 : vector<16xf32>
    %select_n3A_109 = arith.select %le3A_108, %masked_sort3A_75, %rev3A_102 : vector<16xi1>, vector<16xf32>
    %select_n3A_110 = arith.select %le3A_108, %masked_sort3A_76, %rev3A_107 : vector<16xi1>, vector<16xi32>
    %masked_sort3A_111 = arith.constant dense<true> : vector<16xi1>
    %masked_sort3A_112, %masked_sort3A_113, %masked_sort3A_114 = tpu.sort %select_n3A_109, %select_n3A_110 masked %masked_sort3A_111 : (vector<16xf32>, vector<16xi32>, vector<16xi1>) -> (vector<16xi1>, vector<16xf32>, vector<16xi32>)
    %rev3A_115 = arith.constant 15 : i32
    %rev3A_116 = vector.broadcast %rev3A_115 : i32 to vector<16xi32>
    %rev3A_117 = tpu.iota {dimensions = array<i32: 0>} : vector<16xi32>
    %rev3A_118 = arith.subi %rev3A_116, %rev3A_117 : vector<16xi32>
    %rev3A_119 = tpu.dynamic_gather %masked_sort3A_113[%rev3A_118] in [0] : vector<16xf32>, vector<16xi32> -> vector<16xf32>
    %rev3A_120 = arith.constant 15 : i32
    %rev3A_121 = vector.broadcast %rev3A_120 : i32 to vector<16xi32>
    %rev3A_122 = tpu.iota {dimensions = array<i32: 0>} : vector<16xi32>
    %rev3A_123 = arith.subi %rev3A_121, %rev3A_122 : vector<16xi32>
    %rev3A_124 = tpu.dynamic_gather %masked_sort3A_114[%rev3A_123] in [0] : vector<16xi32>, vector<16xi32> -> vector<16xi32>
    %le3A_125 = arith.cmpf ole, %masked_sort3A_71, %rev3A_119 : vector<16xf32>
    %select_n3A_126 = arith.select %le3A_125, %masked_sort3A_71, %rev3A_119 : vector<16xi1>, vector<16xf32>
    %select_n3A_127 = arith.select %le3A_125, %masked_sort3A_72, %rev3A_124 : vector<16xi1>, vector<16xi32>
    %select_n3A_128 = arith.select %le3A_125, %rev3A_119, %masked_sort3A_71 : vector<16xi1>, vector<16xf32>
    %select_n3A_129 = arith.select %le3A_125, %rev3A_124, %masked_sort3A_72 : vector<16xi1>, vector<16xi32>
    %masked_sort3A_130 = arith.constant dense<true> : vector<16xi1>
    %masked_sort3A_131, %masked_sort3A_132, %masked_sort3A_133 = tpu.sort %select_n3A_126, %select_n3A_127 masked %masked_sort3A_130 : (vector<16xf32>, vector<16xi32>, vector<16xi1>) -> (vector<16xi1>, vector<16xf32>, vector<16xi32>)
    %masked_sort3A_134 = arith.constant dense<true> : vector<16xi1>
    %masked_sort3A_135, %masked_sort3A_136, %masked_sort3A_137 = tpu.sort %select_n3A_128, %select_n3A_129 masked %masked_sort3A_134 : (vector<16xf32>, vector<16xi32>, vector<16xi1>) -> (vector<16xi1>, vector<16xf32>, vector<16xi32>)
    %get3A_138 = arith.constant 48 : index
    %get3A_139 = tpu.vector_load %arg7[%get3A_138] {strides = array<i32>} : memref<4096xf32, #tpu.memory_space<vmem>>, vector<16xf32>,
    %sub3A_140 = arith.subf %get3A_139, %get3A_8 : vector<16xf32>
    %get3A_141 = arith.constant 48 : index
    %get3A_142 = tpu.vector_load %arg8[%get3A_141] {strides = array<i32>} : memref<4096xf32, #tpu.memory_space<vmem>>, vector<16xf32>,
    %sub3A_143 = arith.subf %get3A_142, %get3A_12 : vector<16xf32>
    %get3A_144 = arith.constant 48 : index
    %get3A_145 = tpu.vector_load %arg9[%get3A_144] {strides = array<i32>} : memref<4096xf32, #tpu.memory_space<vmem>>, vector<16xf32>,
    %sub3A_146 = arith.subf %get3A_145, %get3A_16 : vector<16xf32>
    %mul3A_147 = arith.mulf %sub3A_140, %sub3A_140 : vector<16xf32>
    %mul3A_148 = arith.mulf %sub3A_143, %sub3A_143 : vector<16xf32>
    %add3A_149 = arith.addf %mul3A_147, %mul3A_148 : vector<16xf32>
    %mul3A_150 = arith.mulf %sub3A_146, %sub3A_146 : vector<16xf32>
    %add3A_151 = arith.addf %add3A_149, %mul3A_150 : vector<16xf32>
    %add3A_152 = arith.constant 48 : i32
    %add3A_153 = vector.broadcast %add3A_152 : i32 to vector<16xi32>
    %add3A_154 = arith.addi %iota3A, %add3A_153 : vector<16xi32>
    %masked_sort3A_155 = arith.constant dense<true> : vector<16xi1>
    %masked_sort3A_156, %masked_sort3A_157, %masked_sort3A_158 = tpu.sort %add3A_151, %add3A_154 masked %masked_sort3A_155 : (vector<16xf32>, vector<16xi32>, vector<16xi1>) -> (vector<16xi1>, vector<16xf32>, vector<16xi32>)
    %rev3A_159 = arith.constant 15 : i32
    %rev3A_160 = vector.broadcast %rev3A_159 : i32 to vector<16xi32>
    %rev3A_161 = tpu.iota {dimensions = array<i32: 0>} : vector<16xi32>
    %rev3A_162 = arith.subi %rev3A_160, %rev3A_161 : vector<16xi32>
    %rev3A_163 = tpu.dynamic_gather %masked_sort3A_157[%rev3A_162] in [0] : vector<16xf32>, vector<16xi32> -> vector<16xf32>
    %rev3A_164 = arith.constant 15 : i32
    %rev3A_165 = vector.broadcast %rev3A_164 : i32 to vector<16xi32>
    %rev3A_166 = tpu.iota {dimensions = array<i32: 0>} : vector<16xi32>
    %rev3A_167 = arith.subi %rev3A_165, %rev3A_166 : vector<16xi32>
    %rev3A_168 = tpu.dynamic_gather %masked_sort3A_158[%rev3A_167] in [0] : vector<16xi32>, vector<16xi32> -> vector<16xi32>
    %le3A_169 = arith.cmpf ole, %masked_sort3A_136, %rev3A_163 : vector<16xf32>
    %select_n3A_170 = arith.select %le3A_169, %masked_sort3A_136, %rev3A_163 : vector<16xi1>, vector<16xf32>
    %select_n3A_171 = arith.select %le3A_169, %masked_sort3A_137, %rev3A_168 : vector<16xi1>, vector<16xi32>
    %masked_sort3A_172 = arith.constant dense<true> : vector<16xi1>
    %masked_sort3A_173, %masked_sort3A_174, %masked_sort3A_175 = tpu.sort %select_n3A_170, %select_n3A_171 masked %masked_sort3A_172 : (vector<16xf32>, vector<16xi32>, vector<16xi1>) -> (vector<16xi1>, vector<16xf32>, vector<16xi32>)
    %rev3A_176 = arith.constant 15 : i32
    %rev3A_177 = vector.broadcast %rev3A_176 : i32 to vector<16xi32>
    %rev3A_178 = tpu.iota {dimensions = array<i32: 0>} : vector<16xi32>
    %rev3A_179 = arith.subi %rev3A_177, %rev3A_178 : vector<16xi32>
    %rev3A_180 = tpu.dynamic_gather %masked_sort3A_174[%rev3A_179] in [0] : vector<16xf32>, vector<16xi32> -> vector<16xf32>
    %rev3A_181 = arith.constant 15 : i32
    %rev3A_182 = vector.broadcast %rev3A_181 : i32 to vector<16xi32>
    %rev3A_183 = tpu.iota {dimensions = array<i32: 0>} : vector<16xi32>
    %rev3A_184 = arith.subi %rev3A_182, %rev3A_183 : vector<16xi32>
    %rev3A_185 = tpu.dynamic_gather %masked_sort3A_175[%rev3A_184] in [0] : vector<16xi32>, vector<16xi32> -> vector<16xi32>
    %le3A_186 = arith.cmpf ole, %masked_sort3A_132, %rev3A_180 : vector<16xf32>
    %select_n3A_187 = arith.select %le3A_186, %masked_sort3A_132, %rev3A_180 : vector<16xi1>, vector<16xf32>
    %select_n3A_188 = arith.select %le3A_186, %masked_sort3A_133, %rev3A_185 : vector<16xi1>, vector<16xi32>
    %select_n3A_189 = arith.select %le3A_186, %rev3A_180, %masked_sort3A_132 : vector<16xi1>, vector<16xf32>
    %select_n3A_190 = arith.select %le3A_186, %rev3A_185, %masked_sort3A_133 : vector<16xi1>, vector<16xi32>
    %masked_sort3A_191 = arith.constant dense<true> : vector<16xi1>
    %masked_sort3A_192, %masked_sort3A_193, %masked_sort3A_194 = tpu.sort %select_n3A_187, %select_n3A_188 masked %masked_sort3A_191 : (vector<16xf32>, vector<16xi32>, vector<16xi1>) -> (vector<16xi1>, vector<16xf32>, vector<16xi32>)
    %masked_sort3A_195 = arith.constant dense<true> : vector<16xi1>
    %masked_sort3A_196, %masked_sort3A_197, %masked_sort3A_198 = tpu.sort %select_n3A_189, %select_n3A_190 masked %masked_sort3A_195 : (vector<16xf32>, vector<16xi32>, vector<16xi1>) -> (vector<16xi1>, vector<16xf32>, vector<16xi32>)
    %reduce_max3A = arith.constant true
    %reduce_max3A_199 = vector.broadcast %reduce_max3A : i1 to vector<16xi1>
    %reduce_max3A_200 = tpu.scan <max>, %masked_sort3A_197 masked %reduce_max3A_199 : vector<16xf32>, vector<16xi1> -> vector<16xf32>
    %reduce_max3A_201 = vector.extract %reduce_max3A_200[15] : f32 from vector<16xf32>
    %scan3A = arith.constant 1 : i32
    %scan3A_202 = arith.constant 63 : i32
    %scan3A_203 = arith.addi %scan3A, %scan3A_202 : i32
    %scan3A_204 = arith.constant 1 : i32
    %scan3A_205:5 = scf.for %scan3A_210 = %scan3A to %scan3A_203 step %scan3A_204 iter_args(%scan3A_211 = %masked_sort3A_193, %scan3A_212 = %masked_sort3A_194, %scan3A_213 = %masked_sort3A_197, %scan3A_214 = %masked_sort3A_198, %scan3A_215 = %reduce_max3A_201) -> (vector<16xf32>, vector<16xi32>, vector<16xf32>, vector<16xi32>, f32)  : i32 {
      %mul3A_216 = arith.constant 4 : i32
      %mul3A_217 = arith.muli %mul3A_216, %scan3A_210 : i32
      %add3A_218 = arith.constant 0 : i32
      %add3A_219 = arith.addi %mul3A_217, %add3A_218 : i32
      %mul3A_220 = arith.constant 16 : i32
      %mul3A_221 = arith.muli %add3A_219, %mul3A_220 : i32
      %get3A_222 = arith.index_cast %mul3A_221 : i32 to index
      %get3A_223 = tpu.vector_load %arg7[%get3A_222] {strides = array<i32>} : memref<4096xf32, #tpu.memory_space<vmem>>, vector<16xf32>,
      %sub3A_224 = arith.subf %get3A_223, %get3A_8 : vector<16xf32>
      %mul3A_225 = arith.constant 16 : i32
      %mul3A_226 = arith.muli %add3A_219, %mul3A_225 : i32
      %get3A_227 = arith.index_cast %mul3A_226 : i32 to index
      %get3A_228 = tpu.vector_load %arg8[%get3A_227] {strides = array<i32>} : memref<4096xf32, #tpu.memory_space<vmem>>, vector<16xf32>,
      %sub3A_229 = arith.subf %get3A_228, %get3A_12 : vector<16xf32>
      %mul3A_230 = arith.constant 16 : i32
      %mul3A_231 = arith.muli %add3A_219, %mul3A_230 : i32
      %get3A_232 = arith.index_cast %mul3A_231 : i32 to index
      %get3A_233 = tpu.vector_load %arg9[%get3A_232] {strides = array<i32>} : memref<4096xf32, #tpu.memory_space<vmem>>, vector<16xf32>,
      %sub3A_234 = arith.subf %get3A_233, %get3A_16 : vector<16xf32>
      %mul3A_235 = arith.mulf %sub3A_224, %sub3A_224 : vector<16xf32>
      %mul3A_236 = arith.mulf %sub3A_229, %sub3A_229 : vector<16xf32>
      %add3A_237 = arith.addf %mul3A_235, %mul3A_236 : vector<16xf32>
      %mul3A_238 = arith.mulf %sub3A_234, %sub3A_234 : vector<16xf32>
      %add3A_239 = arith.addf %add3A_237, %mul3A_238 : vector<16xf32>
      %mul3A_240 = arith.constant 16 : i32
      %mul3A_241 = arith.muli %add3A_219, %mul3A_240 : i32
      %add3A_242 = vector.broadcast %mul3A_241 : i32 to vector<16xi32>
      %add3A_243 = arith.addi %iota3A, %add3A_242 : vector<16xi32>
      %mul3A_244 = arith.constant 4 : i32
      %mul3A_245 = arith.muli %mul3A_244, %scan3A_210 : i32
      %add3A_246 = arith.constant 1 : i32
      %add3A_247 = arith.addi %mul3A_245, %add3A_246 : i32
      %mul3A_248 = arith.constant 16 : i32
      %mul3A_249 = arith.muli %add3A_247, %mul3A_248 : i32
      %get3A_250 = arith.index_cast %mul3A_249 : i32 to index
      %get3A_251 = tpu.vector_load %arg7[%get3A_250] {strides = array<i32>} : memref<4096xf32, #tpu.memory_space<vmem>>, vector<16xf32>,
      %sub3A_252 = arith.subf %get3A_251, %get3A_8 : vector<16xf32>
      %mul3A_253 = arith.constant 16 : i32
      %mul3A_254 = arith.muli %add3A_247, %mul3A_253 : i32
      %get3A_255 = arith.index_cast %mul3A_254 : i32 to index
      %get3A_256 = tpu.vector_load %arg8[%get3A_255] {strides = array<i32>} : memref<4096xf32, #tpu.memory_space<vmem>>, vector<16xf32>,
      %sub3A_257 = arith.subf %get3A_256, %get3A_12 : vector<16xf32>
      %mul3A_258 = arith.constant 16 : i32
      %mul3A_259 = arith.muli %add3A_247, %mul3A_258 : i32
      %get3A_260 = arith.index_cast %mul3A_259 : i32 to index
      %get3A_261 = tpu.vector_load %arg9[%get3A_260] {strides = array<i32>} : memref<4096xf32, #tpu.memory_space<vmem>>, vector<16xf32>,
      %sub3A_262 = arith.subf %get3A_261, %get3A_16 : vector<16xf32>
      %mul3A_263 = arith.mulf %sub3A_252, %sub3A_252 : vector<16xf32>
      %mul3A_264 = arith.mulf %sub3A_257, %sub3A_257 : vector<16xf32>
      %add3A_265 = arith.addf %mul3A_263, %mul3A_264 : vector<16xf32>
      %mul3A_266 = arith.mulf %sub3A_262, %sub3A_262 : vector<16xf32>
      %add3A_267 = arith.addf %add3A_265, %mul3A_266 : vector<16xf32>
      %mul3A_268 = arith.constant 16 : i32
      %mul3A_269 = arith.muli %add3A_247, %mul3A_268 : i32
      %add3A_270 = vector.broadcast %mul3A_269 : i32 to vector<16xi32>
      %add3A_271 = arith.addi %iota3A, %add3A_270 : vector<16xi32>
      %mul3A_272 = arith.constant 4 : i32
      %mul3A_273 = arith.muli %mul3A_272, %scan3A_210 : i32
      %add3A_274 = arith.constant 2 : i32
      %add3A_275 = arith.addi %mul3A_273, %add3A_274 : i32
      %mul3A_276 = arith.constant 16 : i32
      %mul3A_277 = arith.muli %add3A_275, %mul3A_276 : i32
      %get3A_278 = arith.index_cast %mul3A_277 : i32 to index
      %get3A_279 = tpu.vector_load %arg7[%get3A_278] {strides = array<i32>} : memref<4096xf32, #tpu.memory_space<vmem>>, vector<16xf32>,
      %sub3A_280 = arith.subf %get3A_279, %get3A_8 : vector<16xf32>
      %mul3A_281 = arith.constant 16 : i32
      %mul3A_282 = arith.muli %add3A_275, %mul3A_281 : i32
      %get3A_283 = arith.index_cast %mul3A_282 : i32 to index
      %get3A_284 = tpu.vector_load %arg8[%get3A_283] {strides = array<i32>} : memref<4096xf32, #tpu.memory_space<vmem>>, vector<16xf32>,
      %sub3A_285 = arith.subf %get3A_284, %get3A_12 : vector<16xf32>
      %mul3A_286 = arith.constant 16 : i32
      %mul3A_287 = arith.muli %add3A_275, %mul3A_286 : i32
      %get3A_288 = arith.index_cast %mul3A_287 : i32 to index
      %get3A_289 = tpu.vector_load %arg9[%get3A_288] {strides = array<i32>} : memref<4096xf32, #tpu.memory_space<vmem>>, vector<16xf32>,
      %sub3A_290 = arith.subf %get3A_289, %get3A_16 : vector<16xf32>
      %mul3A_291 = arith.mulf %sub3A_280, %sub3A_280 : vector<16xf32>
      %mul3A_292 = arith.mulf %sub3A_285, %sub3A_285 : vector<16xf32>
      %add3A_293 = arith.addf %mul3A_291, %mul3A_292 : vector<16xf32>
      %mul3A_294 = arith.mulf %sub3A_290, %sub3A_290 : vector<16xf32>
      %add3A_295 = arith.addf %add3A_293, %mul3A_294 : vector<16xf32>
      %mul3A_296 = arith.constant 16 : i32
      %mul3A_297 = arith.muli %add3A_275, %mul3A_296 : i32
      %add3A_298 = vector.broadcast %mul3A_297 : i32 to vector<16xi32>
      %add3A_299 = arith.addi %iota3A, %add3A_298 : vector<16xi32>
      %mul3A_300 = arith.constant 4 : i32
      %mul3A_301 = arith.muli %mul3A_300, %scan3A_210 : i32
      %add3A_302 = arith.constant 3 : i32
      %add3A_303 = arith.addi %mul3A_301, %add3A_302 : i32
      %mul3A_304 = arith.constant 16 : i32
      %mul3A_305 = arith.muli %add3A_303, %mul3A_304 : i32
      %get3A_306 = arith.index_cast %mul3A_305 : i32 to index
      %get3A_307 = tpu.vector_load %arg7[%get3A_306] {strides = array<i32>} : memref<4096xf32, #tpu.memory_space<vmem>>, vector<16xf32>,
      %sub3A_308 = arith.subf %get3A_307, %get3A_8 : vector<16xf32>
      %mul3A_309 = arith.constant 16 : i32
      %mul3A_310 = arith.muli %add3A_303, %mul3A_309 : i32
      %get3A_311 = arith.index_cast %mul3A_310 : i32 to index
      %get3A_312 = tpu.vector_load %arg8[%get3A_311] {strides = array<i32>} : memref<4096xf32, #tpu.memory_space<vmem>>, vector<16xf32>,
      %sub3A_313 = arith.subf %get3A_312, %get3A_12 : vector<16xf32>
      %mul3A_314 = arith.constant 16 : i32
      %mul3A_315 = arith.muli %add3A_303, %mul3A_314 : i32
      %get3A_316 = arith.index_cast %mul3A_315 : i32 to index
      %get3A_317 = tpu.vector_load %arg9[%get3A_316] {strides = array<i32>} : memref<4096xf32, #tpu.memory_space<vmem>>, vector<16xf32>,
      %sub3A_318 = arith.subf %get3A_317, %get3A_16 : vector<16xf32>
      %mul3A_319 = arith.mulf %sub3A_308, %sub3A_308 : vector<16xf32>
      %mul3A_320 = arith.mulf %sub3A_313, %sub3A_313 : vector<16xf32>
      %add3A_321 = arith.addf %mul3A_319, %mul3A_320 : vector<16xf32>
      %mul3A_322 = arith.mulf %sub3A_318, %sub3A_318 : vector<16xf32>
      %add3A_323 = arith.addf %add3A_321, %mul3A_322 : vector<16xf32>
      %mul3A_324 = arith.constant 16 : i32
      %mul3A_325 = arith.muli %add3A_303, %mul3A_324 : i32
      %add3A_326 = vector.broadcast %mul3A_325 : i32 to vector<16xi32>
      %add3A_327 = arith.addi %iota3A, %add3A_326 : vector<16xi32>
      %lt3A = vector.broadcast %scan3A_215 : f32 to vector<16xf32>
      %lt3A_328 = arith.cmpf olt, %add3A_239, %lt3A : vector<16xf32>
      %lt3A_329 = vector.broadcast %scan3A_215 : f32 to vector<16xf32>
      %lt3A_330 = arith.cmpf olt, %add3A_267, %lt3A_329 : vector<16xf32>
      %or3A = arith.ori %lt3A_328, %lt3A_330 : vector<16xi1>
      %lt3A_331 = vector.broadcast %scan3A_215 : f32 to vector<16xf32>
      %lt3A_332 = arith.cmpf olt, %add3A_295, %lt3A_331 : vector<16xf32>
      %or3A_333 = arith.ori %or3A, %lt3A_332 : vector<16xi1>
      %lt3A_334 = vector.broadcast %scan3A_215 : f32 to vector<16xf32>
      %lt3A_335 = arith.cmpf olt, %add3A_323, %lt3A_334 : vector<16xf32>
      %or3A_336 = arith.ori %or3A_333, %lt3A_335 : vector<16xi1>
      %reduce_or3A = arith.constant 1.000000e+00 : f32
      %reduce_or3A_337 = arith.constant 0.000000e+00 : f32
      %reduce_or3A_338 = vector.broadcast %reduce_or3A : f32 to vector<16xf32>
      %reduce_or3A_339 = vector.broadcast %reduce_or3A_337 : f32 to vector<16xf32>
      %reduce_or3A_340 = arith.select %or3A_336, %reduce_or3A_338, %reduce_or3A_339 : vector<16xi1>, vector<16xf32>
      %reduce_or3A_341 = arith.constant true
      %reduce_or3A_342 = vector.broadcast %reduce_or3A_341 : i1 to vector<16xi1>
      %reduce_or3A_343 = tpu.scan <max>, %reduce_or3A_340 masked %reduce_or3A_342 : vector<16xf32>, vector<16xi1> -> vector<16xf32>
      %reduce_or3A_344 = vector.extract %reduce_or3A_343[15] : f32 from vector<16xf32>
      %reduce_or3A_345 = arith.constant 0.000000e+00 : f32
      %reduce_or3A_346 = arith.cmpf ogt, %reduce_or3A_344, %reduce_or3A_345 : f32
      %convert_element_type3A = arith.extui %reduce_or3A_346 : i1 to i32
      %cond3A = arith.constant 0 : i32
      %cond3A_347 = arith.cmpi ne, %convert_element_type3A, %cond3A : i32
      %cond3A_348:5 = scf.if %cond3A_347 -> (vector<16xf32>, vector<16xi32>, vector<16xf32>, vector<16xi32>, f32) {
        %masked_sort3A_349 = arith.constant dense<true> : vector<16xi1>
        %masked_sort3A_350, %masked_sort3A_351, %masked_sort3A_352 = tpu.sort %add3A_239, %add3A_243 masked %masked_sort3A_349 : (vector<16xf32>, vector<16xi32>, vector<16xi1>) -> (vector<16xi1>, vector<16xf32>, vector<16xi32>)
        %rev3A_353 = arith.constant 15 : i32
        %rev3A_354 = vector.broadcast %rev3A_353 : i32 to vector<16xi32>
        %rev3A_355 = tpu.iota {dimensions = array<i32: 0>} : vector<16xi32>
        %rev3A_356 = arith.subi %rev3A_354, %rev3A_355 : vector<16xi32>
        %rev3A_357 = tpu.dynamic_gather %masked_sort3A_351[%rev3A_356] in [0] : vector<16xf32>, vector<16xi32> -> vector<16xf32>
        %rev3A_358 = arith.constant 15 : i32
        %rev3A_359 = vector.broadcast %rev3A_358 : i32 to vector<16xi32>
        %rev3A_360 = tpu.iota {dimensions = array<i32: 0>} : vector<16xi32>
        %rev3A_361 = arith.subi %rev3A_359, %rev3A_360 : vector<16xi32>
        %rev3A_362 = tpu.dynamic_gather %masked_sort3A_352[%rev3A_361] in [0] : vector<16xi32>, vector<16xi32> -> vector<16xi32>
        %le3A_363 = arith.cmpf ole, %scan3A_213, %rev3A_357 : vector<16xf32>
        %select_n3A_364 = arith.select %le3A_363, %scan3A_213, %rev3A_357 : vector<16xi1>, vector<16xf32>
        %select_n3A_365 = arith.select %le3A_363, %scan3A_214, %rev3A_362 : vector<16xi1>, vector<16xi32>
        %masked_sort3A_366 = arith.constant dense<true> : vector<16xi1>
        %masked_sort3A_367, %masked_sort3A_368, %masked_sort3A_369 = tpu.sort %select_n3A_364, %select_n3A_365 masked %masked_sort3A_366 : (vector<16xf32>, vector<16xi32>, vector<16xi1>) -> (vector<16xi1>, vector<16xf32>, vector<16xi32>)
        %rev3A_370 = arith.constant 15 : i32
        %rev3A_371 = vector.broadcast %rev3A_370 : i32 to vector<16xi32>
        %rev3A_372 = tpu.iota {dimensions = array<i32: 0>} : vector<16xi32>
        %rev3A_373 = arith.subi %rev3A_371, %rev3A_372 : vector<16xi32>
        %rev3A_374 = tpu.dynamic_gather %masked_sort3A_368[%rev3A_373] in [0] : vector<16xf32>, vector<16xi32> -> vector<16xf32>
        %rev3A_375 = arith.constant 15 : i32
        %rev3A_376 = vector.broadcast %rev3A_375 : i32 to vector<16xi32>
        %rev3A_377 = tpu.iota {dimensions = array<i32: 0>} : vector<16xi32>
        %rev3A_378 = arith.subi %rev3A_376, %rev3A_377 : vector<16xi32>
        %rev3A_379 = tpu.dynamic_gather %masked_sort3A_369[%rev3A_378] in [0] : vector<16xi32>, vector<16xi32> -> vector<16xi32>
        %le3A_380 = arith.cmpf ole, %scan3A_211, %rev3A_374 : vector<16xf32>
        %select_n3A_381 = arith.select %le3A_380, %scan3A_211, %rev3A_374 : vector<16xi1>, vector<16xf32>
        %select_n3A_382 = arith.select %le3A_380, %scan3A_212, %rev3A_379 : vector<16xi1>, vector<16xi32>
        %select_n3A_383 = arith.select %le3A_380, %rev3A_374, %scan3A_211 : vector<16xi1>, vector<16xf32>
        %select_n3A_384 = arith.select %le3A_380, %rev3A_379, %scan3A_212 : vector<16xi1>, vector<16xi32>
        %masked_sort3A_385 = arith.constant dense<true> : vector<16xi1>
        %masked_sort3A_386, %masked_sort3A_387, %masked_sort3A_388 = tpu.sort %select_n3A_381, %select_n3A_382 masked %masked_sort3A_385 : (vector<16xf32>, vector<16xi32>, vector<16xi1>) -> (vector<16xi1>, vector<16xf32>, vector<16xi32>)
        %masked_sort3A_389 = arith.constant dense<true> : vector<16xi1>
        %masked_sort3A_390, %masked_sort3A_391, %masked_sort3A_392 = tpu.sort %select_n3A_383, %select_n3A_384 masked %masked_sort3A_389 : (vector<16xf32>, vector<16xi32>, vector<16xi1>) -> (vector<16xi1>, vector<16xf32>, vector<16xi32>)
        %masked_sort3A_393 = arith.constant dense<true> : vector<16xi1>
        %masked_sort3A_394, %masked_sort3A_395, %masked_sort3A_396 = tpu.sort %add3A_267, %add3A_271 masked %masked_sort3A_393 : (vector<16xf32>, vector<16xi32>, vector<16xi1>) -> (vector<16xi1>, vector<16xf32>, vector<16xi32>)
        %rev3A_397 = arith.constant 15 : i32
        %rev3A_398 = vector.broadcast %rev3A_397 : i32 to vector<16xi32>
        %rev3A_399 = tpu.iota {dimensions = array<i32: 0>} : vector<16xi32>
        %rev3A_400 = arith.subi %rev3A_398, %rev3A_399 : vector<16xi32>
        %rev3A_401 = tpu.dynamic_gather %masked_sort3A_395[%rev3A_400] in [0] : vector<16xf32>, vector<16xi32> -> vector<16xf32>
        %rev3A_402 = arith.constant 15 : i32
        %rev3A_403 = vector.broadcast %rev3A_402 : i32 to vector<16xi32>
        %rev3A_404 = tpu.iota {dimensions = array<i32: 0>} : vector<16xi32>
        %rev3A_405 = arith.subi %rev3A_403, %rev3A_404 : vector<16xi32>
        %rev3A_406 = tpu.dynamic_gather %masked_sort3A_396[%rev3A_405] in [0] : vector<16xi32>, vector<16xi32> -> vector<16xi32>
        %le3A_407 = arith.cmpf ole, %masked_sort3A_391, %rev3A_401 : vector<16xf32>
        %select_n3A_408 = arith.select %le3A_407, %masked_sort3A_391, %rev3A_401 : vector<16xi1>, vector<16xf32>
        %select_n3A_409 = arith.select %le3A_407, %masked_sort3A_392, %rev3A_406 : vector<16xi1>, vector<16xi32>
        %masked_sort3A_410 = arith.constant dense<true> : vector<16xi1>
        %masked_sort3A_411, %masked_sort3A_412, %masked_sort3A_413 = tpu.sort %select_n3A_408, %select_n3A_409 masked %masked_sort3A_410 : (vector<16xf32>, vector<16xi32>, vector<16xi1>) -> (vector<16xi1>, vector<16xf32>, vector<16xi32>)
        %rev3A_414 = arith.constant 15 : i32
        %rev3A_415 = vector.broadcast %rev3A_414 : i32 to vector<16xi32>
        %rev3A_416 = tpu.iota {dimensions = array<i32: 0>} : vector<16xi32>
        %rev3A_417 = arith.subi %rev3A_415, %rev3A_416 : vector<16xi32>
        %rev3A_418 = tpu.dynamic_gather %masked_sort3A_412[%rev3A_417] in [0] : vector<16xf32>, vector<16xi32> -> vector<16xf32>
        %rev3A_419 = arith.constant 15 : i32
        %rev3A_420 = vector.broadcast %rev3A_419 : i32 to vector<16xi32>
        %rev3A_421 = tpu.iota {dimensions = array<i32: 0>} : vector<16xi32>
        %rev3A_422 = arith.subi %rev3A_420, %rev3A_421 : vector<16xi32>
        %rev3A_423 = tpu.dynamic_gather %masked_sort3A_413[%rev3A_422] in [0] : vector<16xi32>, vector<16xi32> -> vector<16xi32>
        %le3A_424 = arith.cmpf ole, %masked_sort3A_387, %rev3A_418 : vector<16xf32>
        %select_n3A_425 = arith.select %le3A_424, %masked_sort3A_387, %rev3A_418 : vector<16xi1>, vector<16xf32>
        %select_n3A_426 = arith.select %le3A_424, %masked_sort3A_388, %rev3A_423 : vector<16xi1>, vector<16xi32>
        %select_n3A_427 = arith.select %le3A_424, %rev3A_418, %masked_sort3A_387 : vector<16xi1>, vector<16xf32>
        %select_n3A_428 = arith.select %le3A_424, %rev3A_423, %masked_sort3A_388 : vector<16xi1>, vector<16xi32>
        %masked_sort3A_429 = arith.constant dense<true> : vector<16xi1>
        %masked_sort3A_430, %masked_sort3A_431, %masked_sort3A_432 = tpu.sort %select_n3A_425, %select_n3A_426 masked %masked_sort3A_429 : (vector<16xf32>, vector<16xi32>, vector<16xi1>) -> (vector<16xi1>, vector<16xf32>, vector<16xi32>)
        %masked_sort3A_433 = arith.constant dense<true> : vector<16xi1>
        %masked_sort3A_434, %masked_sort3A_435, %masked_sort3A_436 = tpu.sort %select_n3A_427, %select_n3A_428 masked %masked_sort3A_433 : (vector<16xf32>, vector<16xi32>, vector<16xi1>) -> (vector<16xi1>, vector<16xf32>, vector<16xi32>)
        %masked_sort3A_437 = arith.constant dense<true> : vector<16xi1>
        %masked_sort3A_438, %masked_sort3A_439, %masked_sort3A_440 = tpu.sort %add3A_295, %add3A_299 masked %masked_sort3A_437 : (vector<16xf32>, vector<16xi32>, vector<16xi1>) -> (vector<16xi1>, vector<16xf32>, vector<16xi32>)
        %rev3A_441 = arith.constant 15 : i32
        %rev3A_442 = vector.broadcast %rev3A_441 : i32 to vector<16xi32>
        %rev3A_443 = tpu.iota {dimensions = array<i32: 0>} : vector<16xi32>
        %rev3A_444 = arith.subi %rev3A_442, %rev3A_443 : vector<16xi32>
        %rev3A_445 = tpu.dynamic_gather %masked_sort3A_439[%rev3A_444] in [0] : vector<16xf32>, vector<16xi32> -> vector<16xf32>
        %rev3A_446 = arith.constant 15 : i32
        %rev3A_447 = vector.broadcast %rev3A_446 : i32 to vector<16xi32>
        %rev3A_448 = tpu.iota {dimensions = array<i32: 0>} : vector<16xi32>
        %rev3A_449 = arith.subi %rev3A_447, %rev3A_448 : vector<16xi32>
        %rev3A_450 = tpu.dynamic_gather %masked_sort3A_440[%rev3A_449] in [0] : vector<16xi32>, vector<16xi32> -> vector<16xi32>
        %le3A_451 = arith.cmpf ole, %masked_sort3A_435, %rev3A_445 : vector<16xf32>
        %select_n3A_452 = arith.select %le3A_451, %masked_sort3A_435, %rev3A_445 : vector<16xi1>, vector<16xf32>
        %select_n3A_453 = arith.select %le3A_451, %masked_sort3A_436, %rev3A_450 : vector<16xi1>, vector<16xi32>
        %masked_sort3A_454 = arith.constant dense<true> : vector<16xi1>
        %masked_sort3A_455, %masked_sort3A_456, %masked_sort3A_457 = tpu.sort %select_n3A_452, %select_n3A_453 masked %masked_sort3A_454 : (vector<16xf32>, vector<16xi32>, vector<16xi1>) -> (vector<16xi1>, vector<16xf32>, vector<16xi32>)
        %rev3A_458 = arith.constant 15 : i32
        %rev3A_459 = vector.broadcast %rev3A_458 : i32 to vector<16xi32>
        %rev3A_460 = tpu.iota {dimensions = array<i32: 0>} : vector<16xi32>
        %rev3A_461 = arith.subi %rev3A_459, %rev3A_460 : vector<16xi32>
        %rev3A_462 = tpu.dynamic_gather %masked_sort3A_456[%rev3A_461] in [0] : vector<16xf32>, vector<16xi32> -> vector<16xf32>
        %rev3A_463 = arith.constant 15 : i32
        %rev3A_464 = vector.broadcast %rev3A_463 : i32 to vector<16xi32>
        %rev3A_465 = tpu.iota {dimensions = array<i32: 0>} : vector<16xi32>
        %rev3A_466 = arith.subi %rev3A_464, %rev3A_465 : vector<16xi32>
        %rev3A_467 = tpu.dynamic_gather %masked_sort3A_457[%rev3A_466] in [0] : vector<16xi32>, vector<16xi32> -> vector<16xi32>
        %le3A_468 = arith.cmpf ole, %masked_sort3A_431, %rev3A_462 : vector<16xf32>
        %select_n3A_469 = arith.select %le3A_468, %masked_sort3A_431, %rev3A_462 : vector<16xi1>, vector<16xf32>
        %select_n3A_470 = arith.select %le3A_468, %masked_sort3A_432, %rev3A_467 : vector<16xi1>, vector<16xi32>
        %select_n3A_471 = arith.select %le3A_468, %rev3A_462, %masked_sort3A_431 : vector<16xi1>, vector<16xf32>
        %select_n3A_472 = arith.select %le3A_468, %rev3A_467, %masked_sort3A_432 : vector<16xi1>, vector<16xi32>
        %masked_sort3A_473 = arith.constant dense<true> : vector<16xi1>
        %masked_sort3A_474, %masked_sort3A_475, %masked_sort3A_476 = tpu.sort %select_n3A_469, %select_n3A_470 masked %masked_sort3A_473 : (vector<16xf32>, vector<16xi32>, vector<16xi1>) -> (vector<16xi1>, vector<16xf32>, vector<16xi32>)
        %masked_sort3A_477 = arith.constant dense<true> : vector<16xi1>
        %masked_sort3A_478, %masked_sort3A_479, %masked_sort3A_480 = tpu.sort %select_n3A_471, %select_n3A_472 masked %masked_sort3A_477 : (vector<16xf32>, vector<16xi32>, vector<16xi1>) -> (vector<16xi1>, vector<16xf32>, vector<16xi32>)
        %masked_sort3A_481 = arith.constant dense<true> : vector<16xi1>
        %masked_sort3A_482, %masked_sort3A_483, %masked_sort3A_484 = tpu.sort %add3A_323, %add3A_327 masked %masked_sort3A_481 : (vector<16xf32>, vector<16xi32>, vector<16xi1>) -> (vector<16xi1>, vector<16xf32>, vector<16xi32>)
        %rev3A_485 = arith.constant 15 : i32
        %rev3A_486 = vector.broadcast %rev3A_485 : i32 to vector<16xi32>
        %rev3A_487 = tpu.iota {dimensions = array<i32: 0>} : vector<16xi32>
        %rev3A_488 = arith.subi %rev3A_486, %rev3A_487 : vector<16xi32>
        %rev3A_489 = tpu.dynamic_gather %masked_sort3A_483[%rev3A_488] in [0] : vector<16xf32>, vector<16xi32> -> vector<16xf32>
        %rev3A_490 = arith.constant 15 : i32
        %rev3A_491 = vector.broadcast %rev3A_490 : i32 to vector<16xi32>
        %rev3A_492 = tpu.iota {dimensions = array<i32: 0>} : vector<16xi32>
        %rev3A_493 = arith.subi %rev3A_491, %rev3A_492 : vector<16xi32>
        %rev3A_494 = tpu.dynamic_gather %masked_sort3A_484[%rev3A_493] in [0] : vector<16xi32>, vector<16xi32> -> vector<16xi32>
        %le3A_495 = arith.cmpf ole, %masked_sort3A_479, %rev3A_489 : vector<16xf32>
        %select_n3A_496 = arith.select %le3A_495, %masked_sort3A_479, %rev3A_489 : vector<16xi1>, vector<16xf32>
        %select_n3A_497 = arith.select %le3A_495, %masked_sort3A_480, %rev3A_494 : vector<16xi1>, vector<16xi32>
        %masked_sort3A_498 = arith.constant dense<true> : vector<16xi1>
        %masked_sort3A_499, %masked_sort3A_500, %masked_sort3A_501 = tpu.sort %select_n3A_496, %select_n3A_497 masked %masked_sort3A_498 : (vector<16xf32>, vector<16xi32>, vector<16xi1>) -> (vector<16xi1>, vector<16xf32>, vector<16xi32>)
        %rev3A_502 = arith.constant 15 : i32
        %rev3A_503 = vector.broadcast %rev3A_502 : i32 to vector<16xi32>
        %rev3A_504 = tpu.iota {dimensions = array<i32: 0>} : vector<16xi32>
        %rev3A_505 = arith.subi %rev3A_503, %rev3A_504 : vector<16xi32>
        %rev3A_506 = tpu.dynamic_gather %masked_sort3A_500[%rev3A_505] in [0] : vector<16xf32>, vector<16xi32> -> vector<16xf32>
        %rev3A_507 = arith.constant 15 : i32
        %rev3A_508 = vector.broadcast %rev3A_507 : i32 to vector<16xi32>
        %rev3A_509 = tpu.iota {dimensions = array<i32: 0>} : vector<16xi32>
        %rev3A_510 = arith.subi %rev3A_508, %rev3A_509 : vector<16xi32>
        %rev3A_511 = tpu.dynamic_gather %masked_sort3A_501[%rev3A_510] in [0] : vector<16xi32>, vector<16xi32> -> vector<16xi32>
        %le3A_512 = arith.cmpf ole, %masked_sort3A_475, %rev3A_506 : vector<16xf32>
        %select_n3A_513 = arith.select %le3A_512, %masked_sort3A_475, %rev3A_506 : vector<16xi1>, vector<16xf32>
        %select_n3A_514 = arith.select %le3A_512, %masked_sort3A_476, %rev3A_511 : vector<16xi1>, vector<16xi32>
        %select_n3A_515 = arith.select %le3A_512, %rev3A_506, %masked_sort3A_475 : vector<16xi1>, vector<16xf32>
        %select_n3A_516 = arith.select %le3A_512, %rev3A_511, %masked_sort3A_476 : vector<16xi1>, vector<16xi32>
        %masked_sort3A_517 = arith.constant dense<true> : vector<16xi1>
        %masked_sort3A_518, %masked_sort3A_519, %masked_sort3A_520 = tpu.sort %select_n3A_513, %select_n3A_514 masked %masked_sort3A_517 : (vector<16xf32>, vector<16xi32>, vector<16xi1>) -> (vector<16xi1>, vector<16xf32>, vector<16xi32>)
        %masked_sort3A_521 = arith.constant dense<true> : vector<16xi1>
        %masked_sort3A_522, %masked_sort3A_523, %masked_sort3A_524 = tpu.sort %select_n3A_515, %select_n3A_516 masked %masked_sort3A_521 : (vector<16xf32>, vector<16xi32>, vector<16xi1>) -> (vector<16xi1>, vector<16xf32>, vector<16xi32>)
        %reduce_max3A_525 = arith.constant true
        %reduce_max3A_526 = vector.broadcast %reduce_max3A_525 : i1 to vector<16xi1>
        %reduce_max3A_527 = tpu.scan <max>, %masked_sort3A_523 masked %reduce_max3A_526 : vector<16xf32>, vector<16xi1> -> vector<16xf32>
        %reduce_max3A_528 = vector.extract %reduce_max3A_527[15] : f32 from vector<16xf32>
        scf.yield %masked_sort3A_519, %masked_sort3A_520, %masked_sort3A_523, %masked_sort3A_524, %reduce_max3A_528 : vector<16xf32>, vector<16xi32>, vector<16xf32>, vector<16xi32>, f32
      } else {
        scf.yield %scan3A_211, %scan3A_212, %scan3A_213, %scan3A_214, %scan3A_215 : vector<16xf32>, vector<16xi32>, vector<16xf32>, vector<16xi32>, f32
      }
      scf.yield %cond3A_348#0, %cond3A_348#1, %cond3A_348#2, %cond3A_348#3, %cond3A_348#4 : vector<16xf32>, vector<16xi32>, vector<16xf32>, vector<16xi32>, f32
    }
    %scan3A_206 = arith.constant 63 : i32
    %swap3A = arith.constant 0 : index
    %swap3A_207 = tpu.vector_load %arg11[%swap3A] {strides = array<i32>} : memref<32xi32, #tpu.memory_space<vmem>>, vector<16xi32>,
    tpu.vector_store %arg11[%swap3A], %scan3A_205#1 {strides = array<i32>} : memref<32xi32, #tpu.memory_space<vmem>>, vector<16xi32>,
    %swap3A_208 = arith.constant 16 : index
    %swap3A_209 = tpu.vector_load %arg11[%swap3A_208] {strides = array<i32>} : memref<32xi32, #tpu.memory_space<vmem>>, vector<16xi32>,
    tpu.vector_store %arg11[%swap3A_208], %scan3A_205#3 {strides = array<i32>} : memref<32xi32, #tpu.memory_space<vmem>>, vector<16xi32>,
    "tpu.region"() ({
      %run_scoped3A_210 = tpu.sem_alloc : memref<!tpu.dma_semaphore, #tpu.memory_space<semaphore_mem>>
      %dma_start3A = arith.constant 0 : i32
      %dma_start3A_211 = tpu.memref_slice %arg6[%add3A, %dma_start3A] : memref<32x32xi32, #tpu.memory_space<hbm>> -> memref<1x32xi32, #tpu.memory_space<hbm>>
      %dma_start3A_212 = tpu.memref_squeeze %dma_start3A_211 : memref<1x32xi32, #tpu.memory_space<hbm>> -> memref<32xi32, #tpu.memory_space<hbm>>
      %dma_start3A_213 = arith.constant 0 : i32
      %dma_start3A_214 = tpu.memref_slice %arg6[%add3A, %dma_start3A_213] : memref<32x32xi32, #tpu.memory_space<hbm>> -> memref<1x32xi32, #tpu.memory_space<hbm>>
      %dma_start3A_215 = tpu.memref_squeeze %dma_start3A_214 : memref<1x32xi32, #tpu.memory_space<hbm>> -> memref<32xi32, #tpu.memory_space<hbm>>
      tpu.enqueue_dma source(%arg11 : memref<32xi32, #tpu.memory_space<vmem>>) target(%dma_start3A_215 : memref<32xi32, #tpu.memory_space<hbm>>) target_semaphore(%run_scoped3A_210 : memref<!tpu.dma_semaphore, #tpu.memory_space<semaphore_mem>>)
      %dma_wait3A = arith.constant 0 : i32
      %dma_wait3A_216 = tpu.memref_slice %arg6[%add3A, %dma_wait3A] : memref<32x32xi32, #tpu.memory_space<hbm>> -> memref<1x32xi32, #tpu.memory_space<hbm>>
      %dma_wait3A_217 = tpu.memref_squeeze %dma_wait3A_216 : memref<1x32xi32, #tpu.memory_space<hbm>> -> memref<32xi32, #tpu.memory_space<hbm>>
      %dma_wait3A_218 = arith.constant 0 : i32
      %dma_wait3A_219 = tpu.memref_slice %arg6[%add3A, %dma_wait3A_218] : memref<32x32xi32, #tpu.memory_space<hbm>> -> memref<1x32xi32, #tpu.memory_space<hbm>>
      %dma_wait3A_220 = tpu.memref_squeeze %dma_wait3A_219 : memref<1x32xi32, #tpu.memory_space<hbm>> -> memref<32xi32, #tpu.memory_space<hbm>>
      tpu.wait_dma2 semaphore(%run_scoped3A_210 : memref<!tpu.dma_semaphore, #tpu.memory_space<semaphore_mem>>) src(%arg11 : memref<32xi32, #tpu.memory_space<vmem>>) dst(%dma_wait3A_220 : memref<32xi32, #tpu.memory_space<hbm>>)
      tpu.yield
    }) : () -> ()
    return
  }
}

</mosaic_0001>

<sc_bundles>
// kernel: _sc_topk_call.3.cloned.1.call-start
scs
__scs_entry_jumppad:
0x0: {  	(pc) =	sbr.rel $0x88, $3  }
0x1: {  	(tag) =	ssettag $0x0;
	lr =	simm.s32 $0x1  }
0x2: {  	[smem:$0x3F9D] =	sst lr;
	_ =	strace $0xD0000000  }
0x3: {  	_ = 	snop  }
0x4: {  	_ = 	snop  }
0x5: {  	_ = 	snop  }
0x6: {  	_ = 	snop  }
0x7: {  	_ = 	snop  }
__scs_overlays_trampoline_lowered:
0x8: {  	[smem:$0x3FAC] =	sst s0  }
0x9: {  	[smem:$0x3FAD] =	sst s1  }
0xa: {  	[smem:$0x3FAE] =	sst s2  }
0xb: {  	[smem:$0x3FAF] =	sst s3  }
0xc: {  	[smem:$0x3FB0] =	sst s4  }
0xd: {  	[smem:$0x3FB1] =	sst s5  }
0xe: {  	[smem:$0x3FB2] =	sst s6  }
0xf: {  	[smem:$0x3FB3] =	sst s7  }
0x10: {  	[smem:$0x3FB4] =	sst s8  }
0x11: {  	[smem:$0x3FB5] =	sst s9;
	s0 =	simm.s32 @!p0 $0x0  }
0x12: {  	s1 =	sld [smem:$0x3F9B];
	s0 =	simm.s32 @p0 $0x1  }
0x13: {  	[smem:$0x3FB6] =	sst s0;
	s0 =	simm.s32 @!p1 $0x0  }
0x14: {  	s2 =	sld [smem:$0x3F9A];
	s0 =	simm.s32 @p1 $0x1  }
0x15: {  	[smem:$0x3FB7] =	sst s0;
	s0 =	simm.s32 @!p2 $0x0  }
0x16: {  	s3 =	sld [smem:$0x3FDB];
	s0 =	simm.s32 @p2 $0x1  }
0x17: {  	s4 =	simm.s32 $0x1BF5;
	[smem:$0x3FB9] =	sst s0  }
0x18: {  	s0 =	sld [smem:$0x3F9C];
	_ =	swait.ge [sflag:s4], $0x0  }
0x19: {  	s7 =	sld [smem:$0x3F9D]  }
0x1a: {  	s8 =	sadd.s32 $0xFFFFE003, lr  }
0x1b: {  	s9 =	sadd.s32 $0xFFFFFEF7, lr;
	s5 =	simm.s32 $0xFFFFFFFF;
	p2 =	slt.u32 s8, $0xFFFFF086  }
0x1c: {  	p1 =	slt.u32 s9, $0xF7A;
	s5 =	simm.s32 @!p2 $0x0  }
0x1d: {  	s5 =	simm.s32 @p1 $0x1;
	p0 =	seq.s32 s7, s2  }
0x1e: {  	s7 =	smul.u32 @!p0 $0xF7A, s2;
	p2 =	seq.s32 @!p0 s5, $0x0  }
0x1f: {  	s9 =	smul.u32 $0xF7A, s1;
	s8 =	simm.s32 @!p0 $0x1BF5;
	p2 =	por !p2, p0  }
0x20: {  	[sflag:s8] =	ssyncset.s32 @!p0 $0xFFFFF086;
	s6 =	sadd.s32 @!p0 s3, s7;
	s7 =	simm.s32 @!p0 $0x108  }
0x21: {  	s3 =	sadd.s32 s3, s9;
	s6 =	sadd.s32 @!p0 $0x88, s6;
	s7 =	simm.s32 @p2 $0x1082  }
0x22: {  	[simem:s7], [sflag:s8] =	dma.local @!p0 [hbm:s6], $0xF7A  }
0x23: {  	s9 =	sor.u32 $0xD0000000, s2;
	s6 =	simm.s32 $0x108;
	_ =	swait.ge @!p0 [sflag:s8], $0x0  }
0x24: {  	s3 =	sadd.s32 $0x88, s3;
	s6 =	simm.s32 @!p1 $0x1082;
	[sflag:s4] =	ssyncset.s32 $0xFFFFF086  }
0x25: {  	[simem:s6], [sflag:s4] =	dma.local [hbm:s3], $0xF7A  }
0x26: {  	[smem:$0x3F9D] =	sst s1;
	(tag) =	ssettag s2;
	_ =	strace s9  }
0x27: {  	s1 =	sld [smem:$0x3FAD]  }
0x28: {  	s2 =	sld [smem:$0x3FAE]  }
0x29: {  	s4 =	sld [smem:$0x3FB0]  }
0x2a: {  	p0 =	seq.s32 s5, $0x0;
	s5 =	sld [smem:$0x3FB1]  }
0x2b: {  	s6 =	sld [smem:$0x3FB2]  }
0x2c: {  	s7 =	sld [smem:$0x3FB3]  }
0x2d: {  	s3 =	simm.s32 $0x108;
	s8 =	sld [smem:$0x3FB4]  }
0x2e: {  	s3 =	simm.s32 @!p0 $0x1082;
	s9 =	sld [smem:$0x3FB5]  }
0x2f: {  	lr =	sadd.s32 s0, s3;
	s0 =	sld [smem:$0x3FAC]  }
0x30: {  	s3 =	sld [smem:$0x3FAF]  }
0x31: {  	[smem:$0x3FB8] =	sst s10  }
0x32: {  	s10 =	sld [smem:$0x3FB6];
	_ =	sdelay $0x3  }
0x33: {  	p0 =	seq.s32 s10, $0x1;
	s10 =	sld [smem:$0x3FB8];
	_ =	sdelay $0x3  }
0x34: {  	[smem:$0x3FB8] =	sst s10  }
0x35: {  	s10 =	sld [smem:$0x3FB7];
	_ =	sdelay $0x3  }
0x36: {  	p1 =	seq.s32 s10, $0x1;
	s10 =	sld [smem:$0x3FB8];
	_ =	sdelay $0x3  }
0x37: {  	[smem:$0x3FB8] =	sst s10  }
0x38: {  	s10 =	sld [smem:$0x3FB9]  }
0x39: {  	_ = 	snop;
	(pc) =	sbr.ind lr, $3  }
0x3a: {  	_ = 	snop  }
0x3b: {  	_ = 	snop  }
0x3c: {  	p2 =	seq.s32 s10, $0x1;
	s10 =	sld [smem:$0x3FB8]  }
0x3d: {  	_ =	shalt  }
0x3e: {  	_ =	shalt  }
0x3f: {  	_ =	shalt  }
0x40: {  	_ =	shalt  }
0x41: {  	_ =	shalt  }
0x42: {  	_ =	shalt  }
0x43: {  	_ =	shalt  }
0x44: {  	_ =	shalt  }
0x45: {  	_ =	shalt  }
0x46: {  	_ =	shalt  }
0x47: {  	_ =	shalt  }
0x48: {  	_ =	shalt  }
0x49: {  	_ =	shalt  }
0x4a: {  	_ =	shalt  }
0x4b: {  	_ =	shalt  }
0x4c: {  	_ =	shalt  }
0x4d: {  	_ =	shalt  }
0x4e: {  	_ =	shalt  }
0x4f: {  	_ =	shalt  }
0x50: {  	_ =	shalt  }
0x51: {  	_ =	shalt  }
0x52: {  	_ =	shalt  }
0x53: {  	_ =	shalt  }
0x54: {  	_ =	shalt  }
0x55: {  	_ =	shalt  }
0x56: {  	_ =	shalt  }
0x57: {  	_ =	shalt  }
0x58: {  	_ =	shalt  }
0x59: {  	_ =	shalt  }
0x5a: {  	_ =	shalt  }
0x5b: {  	_ =	shalt  }
0x5c: {  	_ =	shalt  }
0x5d: {  	_ =	shalt  }
0x5e: {  	_ =	shalt  }
0x5f: {  	_ =	shalt  }
0x60: {  	_ =	shalt  }
0x61: {  	_ =	shalt  }
0x62: {  	_ =	shalt  }
0x63: {  	_ =	shalt  }
0x64: {  	_ =	shalt  }
0x65: {  	_ =	shalt  }
0x66: {  	_ =	shalt  }
0x67: {  	_ =	shalt  }
0x68: {  	_ =	shalt  }
0x69: {  	_ =	shalt  }
0x6a: {  	_ =	shalt  }
0x6b: {  	_ =	shalt  }
0x6c: {  	_ =	shalt  }
0x6d: {  	_ =	shalt  }
0x6e: {  	_ =	shalt  }
0x6f: {  	_ =	shalt  }
0x70: {  	_ =	shalt  }
0x71: {  	_ =	shalt  }
0x72: {  	_ =	shalt  }
0x73: {  	_ =	shalt  }
0x74: {  	_ =	shalt  }
0x75: {  	_ =	shalt  }
0x76: {  	_ =	shalt  }
0x77: {  	_ =	shalt  }
0x78: {  	_ =	shalt  }
0x79: {  	_ =	shalt  }
0x7a: {  	_ =	shalt  }
0x7b: {  	_ =	shalt  }
0x7c: {  	_ =	shalt  }
0x7d: {  	_ =	shalt  }
0x7e: {  	_ =	shalt  }
0x7f: {  	_ =	shalt  }
0x80: {  	_ =	shalt  }
0x81: {  	_ =	shalt  }
0x82: {  	_ =	shalt  }
0x83: {  	_ =	shalt  }
0x84: {  	_ =	shalt  }
0x85: {  	_ =	shalt  }
0x86: {  	_ =	shalt  }
0x87: {  	_ =	shalt  }
.Lfunc_end0:
.L_simem_size_0:
called_computation_lowered:
.L_overlay_start_0:
0x88: {  	s2 =	sld [smem:$0x3FD9]  }
0x89: {  	s3 =	sld [smem:$0x3FFE];
	_ =	sdelay $0x1  }
0x8a: {  	s1 =	srdreg.scid  }
0x8b: {  	s0 =	sand.u32 $0x1, s1  }
0x8c: {  	s17 =	sshll.u32 s0, $0xA;
	s2 =	sadd.s32 s3, s2  }
0x8d: {  	s2 =	sadd.s32 s2, s17  }
0x8e: {  	[smem:$0x3FC4] =	sst s2  }
0x8f: {  	_ = 	snop  }
0x90: {  	s2 =	sld [smem:$0x3FC9]  }
0x91: {  	s18 =	sld [smem:$0x3FD0];
	(tm) =	ssettm $0x1  }
0x92: {  	s4 =	sld [smem:$0x3FFB];
	_ =	sdelay $0x3  }
0x93: {  	_ =	strace s4  }
0x94: {  	s4 =	sld [smem:$0x3FFC];
	_ =	sdelay $0x3  }
0x95: {  	_ =	strace s4  }
0x96: {  	s4 =	sld [smem:$0x3FFD];
	_ =	sdelay $0x3  }
0x97: {  	_ =	strace s4  }
0x98: {  	_ =	strace $0x8FFFFFFF  }
0x99: {  	s19 =	sld [smem:$0x3FDB];
	_ =	sdelay $0x1  }
0x9a: {  	s5 =	simm.s32 $_scs_section_size  }
0x9b: {  	s6 =	simm.s32 $_size__tile_overlayer_lowered;
	s7 =	simm.s32 $_tile_overlayer_lowered  }
0x9c: {  	s22 =	simm.s32 $0x1BFF;
	s21 =	sshll.u32 s7, $0x1;
	s4 =	sadd.s32 s5, s19  }
0x9d: {  	s8 =	simm.s32 $0x0;
	s20 =	sshll.u32 s6, $0x1;
	s6 =	sadd.s32 s21, s4  }
0x9e: {  	[timem:s8], [sflag:s22] =	dma.local [hbm:s6], s20  }
0x9f: {  	_ =	swait.ge [sflag:s22], s20  }
0xa0: {  	s5 =	ssub.s32 $0x0, s20;
	[sflag:s22] =	ssyncset.done $0x0  }
0xa1: {  	[sflag:s22] =	ssyncadd.s32 s5;
	_ =	sdelay $0x1  }
0xa2: {  	s23 =	simm.s32 $0x1B8B  }
0xa3: {  	_ =	swait.ge [sflag:s23], $0x1  }
0xa4: {  	[sflag:s23] =	ssyncset.done $0x0  }
0xa5: {  	s25 =	simm.s32 $0x1B8E;
	s24 =	sld [smem:$0x3FFE];
	[sflag:s23] =	ssyncadd.s32 $0xFFFFFFFF  }
0xa6: {  	s26 =	simm.s32 $execute0_lowered;
	[smem:$0x3FD2] =	sst s25  }
0xa7: {  	s6 =	sshll.u32 s26, $0x1;
	_ =	strace $0x80000046;
	[dreg:$0x1] =	wrdreg $0xFFFFFFFF  }
0xa8: {  	s28 =	simm.s32 $_size_execute0_lowered;
	s4 =	sadd.s32 s4, s6;
	[dreg:$0x0] =	wrdreg $0x0  }
0xa9: {  	s6 =	sshll.u32 s28, $0x1;
	[dreg:$0x2] =	wrdreg s4  }
0xaa: {  	[dreg:$0x3] =	wrdreg s6  }
0xab: {  	[dreg:$0x4] =	wrdreg $0xC0  }
0xac: {  	_ =	task [dreg:s8], $0x5FFFF  }
0xad: {  	[dreg:$0x1] =	wrdreg $0xFFFFFFFF  }
0xae: {  	[dreg:$0x0] =	wrdreg $0x60  }
0xaf: {  	[dreg:$0x2] =	wrdreg s2  }
0xb0: {  	[dreg:$0x3] =	wrdreg s24  }
0xb1: {  	[dreg:$0x4] =	wrdreg s18  }
0xb2: {  	[dreg:$0x5] =	wrdreg $0x9  }
0xb3: {  	_ =	task.clear_ibuf [dreg:s8], $0x6FFFF;
	_ =	strace $0x90000046  }
0xb4: {  	s29 =	simm.s32 $0x9;
	_ =	strace $0x80000048  }
0xb5: {  	_ =	swait.ge [sflag:s29], $0x1  }
0xb6: {  	[sflag:s29] =	ssyncadd.s32 $0xFFFFFFFF  }
0xb7: {  	_ =	strace $0x90000048  }
0xb8: {  	_ =	sfence  }
0xb9: {  	s30 =	sld [smem:$0x0];
	_ =	sdelay $0x2  }
0xba: {  	s31 =	sshll.u32 s1, $0xD;
	s1 =	sshrl.u32 s1, $0x2  }
0xbb: {  	s3 =	sand.u32 $0x4000, s31;
	s1 =	sadd.s32 s1, s30  }
0xbc: {  	s0 =	sor.u32 s3, s0;
	s1 =	sshll.u32 s1, $0x11  }
0xbd: {  	s0 =	sor.u32 s1, s0  }
0xbe: {  	s0 =	sadd.s32 $0x8F2B, s0  }
0xbf: {  	[sflag:s0] =	ssyncadd.remote.s32 $0x1  }
0xc0: {  	_ =	sfence.sel $0xFFFF  }
0xc1: {  	[dreg:$0x0] =	wrdreg $0xFFFFFFFF;
	(pc) =	sbr.abs _section_cstart, $3  }
0xc2: {  	[dreg:$0x1] =	wrdreg $0xFFFFFFFF  }
0xc3: {  	_ =	task.clear_ibuf [dreg:s8], $0x2FFFF;
	_ =	strace $0x9FFFFFFF  }
0xc4: {  	(tm) =	ssettm $0x7FFFFFFF  }
0xc5: {  	_ =	shalt  }
tec
execute0_lowered:
.L_overlay_start_1:
0x0: {  	(tag) =	ssettag $0x1  }
0x1: {  	s3 =	rddreg [dreg:$0x0]  }
0x2: {  	s4 =	rddreg [dreg:$0x1]  }
0x3: {  	s9 =	rddreg [dreg:$0x2]  }
0x4: {  	s0 =	rddreg [dreg:$0x3]  }
0x5: {  	s2 =	simm.s32 $0x0;
	s5 =	srdreg.scid;
	s1 =	stileid.u32  }
0x6: {  	s12 =	simm.s32 $0x200;
	s13 =	simm.s32 $0x1;
	s14 =	simm.s32 $0x1000  }
0x7: {  	s15 =	simm.s32 $0x2000;
	s16 =	simm.s32 $0x3000;
	s17 =	simm.s32 $0x3080  }
0x8: {  	s18 =	simm.s32 $0x3100;
	s19 =	simm.s32 $0x3200;
	s20 =	simm.s32 $0x0  }
0x9: {  	[smem:$0x7FF] =	sst s2;
	s5 =	sand.u32 $0x1, s5;
	s7 =	sshll.u32 s1, $0x4  }
0xa: {  	s30 =	sshll.u32 s1, $0xB;
	_ =	strace $0x80000047;
	s6 =	sshll.u32 s5, $0x8  }
.Ltmp0:
0xb: {  	s5 =	ssub.s32 $0x2, s5;
	s10 =	sor.u32 s7, s6;
	(pc) =	sbr.rel .LBB2_1-.Ltmp0, $4  }
0xc: {  	v0 =	vlaneseq.u32;
	s3 =	sadd.s32 s3, s30;
	s31 =	sshrl.u32 s5, $0x1;
	s8 =	sadd.s32 s10, s4  }
0xd: {  	v2 =	vmul.u32 $0xFFFFFFFF, v0;
	s11 =	ssub.s32 s5, s31;
	s4 =	sadd.s32 $0x10, s3;
	s5 =	sadd.s32 $0x20, s3  }
0xe: {  	v5 =	vimm.f32 $0.0e+00;
	v1 =	vor.u32 $0x10, v0;
	s9 =	sadd.s32 s9, s10;
	s6 =	sadd.s32 $0x800, s8;
	s7 =	sadd.s32 $0xA00, s8  }
0xf: {  	v3 =	vor.u32 $0x20, v0;
	v4 =	vor.u32 $0x30, v0;
	v2 =	vadd.s32 $0xF, v2;
	s8 =	sadd.s32 $0xC00, s8;
	s10 =	smax.u32 s11, $0x1;
	s11 =	simm.s32 $0x80  }
.LBB2_5:
0x10: {  	s20 =	sadd.s32 $0x1, s20  }
0x11: {  	[tilespmem:$0x3200] =	vst v9;
	p0 =	sne.s32 s20, s10  }
.Ltmp1:
0x12: {  	[tilespmem:$0x3210] =	vst v11;
	(pc) =	sbr.rel @!p0 .LBB2_6-.Ltmp1, $4  }
0x13: {  	[hbm4b:s9+s2] =	stream.linear.scatter [tilespmem:s19], [sflag:$0x1], $0x80, $0x38;
	[tilespmem:$0x3280] =	vst v63  }
0x14: {  	_ =	swait.ge [sflag:s13], $0x80  }
0x15: {  	[sflag:s13] =	ssyncset.done $0x0  }
0x16: {  	[sflag:s13] =	ssyncadd.s32 $0xFFFFFF80  }
.LBB2_1:
0x17: {  	[tilespmem:s2], [sflag:$0x1] =	stream.strided.gather [hbm4b:s3+s11], $0x1000, s12, s11, $0x38;
	[tilespmem:$0x3280] =	vst v63  }
0x18: {  	_ =	swait.ge [sflag:s13], $0x1000  }
0x19: {  	[sflag:s13] =	ssyncset.done $0x0  }
0x1a: {  	[sflag:s13] =	ssyncadd.s32 $0xFFFFF000  }
0x1b: {  	[tilespmem:s14], [sflag:$0x1] =	stream.strided.gather [hbm4b:s4+s11], $0x1000, s12, s11, $0x38;
	[tilespmem:$0x3280] =	vst v63  }
0x1c: {  	_ =	swait.ge [sflag:s13], $0x1000  }
0x1d: {  	[sflag:s13] =	ssyncset.done $0x0  }
0x1e: {  	[sflag:s13] =	ssyncadd.s32 $0xFFFFF000  }
0x1f: {  	[tilespmem:s15], [sflag:$0x1] =	stream.strided.gather [hbm4b:s5+s11], $0x1000, s12, s11, $0x38;
	[tilespmem:$0x3280] =	vst v63  }
0x20: {  	_ =	swait.ge [sflag:s13], $0x1000  }
0x21: {  	[sflag:s13] =	ssyncset.done $0x0  }
0x22: {  	[sflag:s13] =	ssyncadd.s32 $0xFFFFF000  }
0x23: {  	[tilespmem:s16], [sflag:$0x1] =	stream.linear.gather [hbm4b:s6+s2], $0x80, $0x38;
	[tilespmem:$0x3280] =	vst v63  }
0x24: {  	_ =	swait.ge [sflag:s13], $0x80  }
0x25: {  	[sflag:s13] =	ssyncset.done $0x0  }
0x26: {  	[sflag:s13] =	ssyncadd.s32 $0xFFFFFF80  }
0x27: {  	[tilespmem:s17], [sflag:$0x1] =	stream.linear.gather [hbm4b:s7+s2], $0x80, $0x38;
	[tilespmem:$0x3280] =	vst v63  }
0x28: {  	_ =	swait.ge [sflag:s13], $0x80  }
0x29: {  	[sflag:s13] =	ssyncset.done $0x0  }
0x2a: {  	[sflag:s13] =	ssyncadd.s32 $0xFFFFFF80  }
0x2b: {  	[tilespmem:s18], [sflag:$0x1] =	stream.linear.gather [hbm4b:s8+s2], $0x80, $0x38;
	[tilespmem:$0x3280] =	vst v63  }
0x2c: {  	_ =	swait.ge [sflag:s13], $0x80  }
0x2d: {  	[sflag:s13] =	ssyncset.done $0x0  }
0x2e: {  	[sflag:s13] =	ssyncadd.s32 $0xFFFFFF80  }
0x2f: {  	v6 =	vld [tilespmem:$0x3000]  }
0x30: {  	v7 =	vld [tilespmem:$0x3080]  }
0x31: {  	v8 =	vld [tilespmem:$0x3100]  }
0x32: {  	v9 =	vld [tilespmem:$0x0]  }
0x33: {  	v10 =	vld [tilespmem:$0x1000]  }
0x34: {  	v11 =	vld [tilespmem:$0x10]  }
0x35: {  	v12 =	vld [tilespmem:$0x1010]  }
0x36: {  	v13 =	vld [tilespmem:$0x2000]  }
0x37: {  	v14 =	vld [tilespmem:$0x2010];
	_ =	sdelay $0x1  }
0x38: {  	v9 =	vsub.f32 v9, v6;
	v10 =	vsub.f32 v10, v7  }
0x39: {  	v11 =	vsub.f32 v11, v6;
	v12 =	vsub.f32 v12, v7  }
0x3a: {  	v13 =	vsub.f32 v13, v8;
	v9 =	vmul.f32 v9, v9;
	v10 =	vmul.f32 v10, v10  }
0x3b: {  	v14 =	vsub.f32 v14, v8;
	v11 =	vmul.f32 v11, v11;
	v12 =	vmul.f32 v12, v12  }
0x3c: {  	v9 =	vadd.f32 v10, v9;
	v10 =	vmul.f32 v13, v13  }
0x3d: {  	v11 =	vadd.f32 v12, v11;
	v12 =	vmul.f32 v14, v14  }
0x3e: {  	v9 =	vadd.f32 v10, v9  }
0x3f: {  	v10 =	vadd.f32 v12, v11  }
0x40: {  	(xrf1) =	vsort.ascd.msk.f32 $0xffff, v9, v0  }
0x41: {  	(xrf1) =	vsort.ascd.msk.f32 $0xffff, v10, v1;
	_ =	sdelay $0x6  }
0x42: {  	v9 =	vld [tilespmem:$0x20]  }
0x43: {  	v10 =	vld [tilespmem:$0x1020];
	_ =	sdelay $0x1  }
0x44: {  	v11 =	vld [tilespmem:$0x2020];
	_ =	sdelay $0x1  }
0x45: {  	v9 =	vsub.f32 v9, v6  }
0x46: {  	v10 =	vsub.f32 v10, v7;
	v12, v13, _ =	vpop (xrf1)  }
0x47: {  	v9 =	vmul.f32 v9, v9;
	v14, v15, _ =	vpop (xrf1)  }
0x48: {  	v11 =	vsub.f32 v11, v8;
	v10 =	vmul.f32 v10, v10;
	v14 =	vperm.xlane v14, v2  }
0x49: {  	v15 =	vperm.xlane v15, v2  }
0x4a: {  	v9 =	vadd.f32 v10, v9;
	v10 =	vmul.f32 v11, v11;
	vm0 =	vle.f32 v12, v14  }
0x4b: {  	v11 =	vsel vm0, v12, v14;
	v12 =	vsel vm0, v14, v12;
	v14 =	vsel vm0, v13, v15  }
0x4c: {  	v9 =	vadd.f32 v10, v9;
	v13 =	vsel vm0, v15, v13;
	(xrf1) =	vsort.ascd.msk.f32 $0xffff, v11, v14  }
0x4d: {  	(xrf1) =	vsort.ascd.msk.f32 $0xffff, v12, v13  }
0x4e: {  	(xrf1) =	vsort.ascd.msk.f32 $0xffff, v9, v3;
	_ =	sdelay $0xb  }
0x4f: {  	v9, v10, _ =	vpop (xrf1)  }
0x50: {  	v11, v12, _ =	vpop (xrf1)  }
0x51: {  	v13, v14, _ =	vpop (xrf1)  }
0x52: {  	v13 =	vperm.xlane v13, v2  }
0x53: {  	v14 =	vperm.xlane v14, v2  }
0x54: {  	vm12 =	vle.f32 v11, v13  }
0x55: {  	v11 =	vsel vm12, v11, v13;
	v12 =	vsel vm12, v12, v14  }
0x56: {  	(xrf1) =	vsort.ascd.msk.f32 $0xffff, v11, v12;
	_ =	sdelay $0x6  }
0x57: {  	v11 =	vld [tilespmem:$0x30]  }
0x58: {  	v12 =	vld [tilespmem:$0x1030];
	_ =	sdelay $0x1  }
0x59: {  	v13 =	vld [tilespmem:$0x2030];
	_ =	sdelay $0x1  }
0x5a: {  	v11 =	vsub.f32 v11, v6  }
0x5b: {  	v12 =	vsub.f32 v12, v7  }
0x5c: {  	v11 =	vmul.f32 v11, v11;
	v14, v15, _ =	vpop (xrf1)  }
0x5d: {  	v13 =	vsub.f32 v13, v8;
	v12 =	vmul.f32 v12, v12;
	v14 =	vperm.xlane v14, v2  }
0x5e: {  	v15 =	vperm.xlane v15, v2  }
0x5f: {  	v11 =	vadd.f32 v12, v11;
	v12 =	vmul.f32 v13, v13;
	vm13 =	vle.f32 v9, v14  }
0x60: {  	v13 =	vsel vm13, v9, v14;
	v9 =	vsel vm13, v14, v9;
	v14 =	vsel vm13, v10, v15  }
0x61: {  	v11 =	vadd.f32 v12, v11;
	v10 =	vsel vm13, v15, v10;
	(xrf1) =	vsort.ascd.msk.f32 $0xffff, v13, v14  }
0x62: {  	(xrf1) =	vsort.ascd.msk.f32 $0xffff, v9, v10  }
0x63: {  	(xrf1) =	vsort.ascd.msk.f32 $0xffff, v11, v4;
	_ =	sdelay $0xb  }
0x64: {  	v9, v10, _ =	vpop (xrf1)  }
0x65: {  	v11, v12, _ =	vpop (xrf1)  }
0x66: {  	v13, v14, _ =	vpop (xrf1)  }
0x67: {  	v13 =	vperm.xlane v13, v2  }
0x68: {  	v14 =	vperm.xlane v14, v2  }
0x69: {  	vm14 =	vle.f32 v11, v13  }
0x6a: {  	v11 =	vsel vm14, v11, v13;
	v12 =	vsel vm14, v12, v14  }
0x6b: {  	(xrf1) =	vsort.ascd.msk.f32 $0xffff, v11, v12;
	_ =	sdelay $0xd  }
0x6c: {  	v11, v12, _ =	vpop (xrf1)  }
0x6d: {  	v11 =	vperm.xlane v11, v2  }
0x6e: {  	v12 =	vperm.xlane v12, v2  }
0x6f: {  	vm15 =	vle.f32 v9, v11  }
0x70: {  	v13 =	vsel vm15, v9, v11;
	v14 =	vsel vm15, v10, v12  }
0x71: {  	v9 =	vsel vm15, v11, v9;
	v10 =	vsel vm15, v12, v10;
	(xrf1) =	vsort.ascd.msk.f32 $0xffff, v13, v14  }
0x72: {  	(xrf1) =	vsort.ascd.msk.f32 $0xffff, v9, v10;
	_ =	sdelay $0xc  }
0x73: {  	v10, v9, _ =	vpop (xrf1)  }
0x74: {  	v12, v11, _ =	vpop (xrf1)  }
0x75: {  	(xrf0) =	vmax.scan.msk.f32 $0xffff, v12;
	_ =	sdelay $0x5  }
0x76: {  	v13, _, _ =	vpop (xrf0)  }
0x77: {  	(v2sf) =	vpush v13, $0xF;
	_ =	sdelay $0xa  }
.Ltmp2:
0x78: {  	_ = 	snop;
	(pc) =	sbr.rel .LBB2_2-.Ltmp2, $3  }
0x79: {  	_ =	sdelay $0x1  }
0x7a: {  	s21 =	simm.s32 $0x70;
	s22 =	simm.s32 $0x2070  }
0x7b: {  	s23 =	simm.s32 $0x1070;
	s24 =	simm.s32 $0x70;
	s25 =	spop (v2sf)  }
.LBB2_4:
0x7c: {  	s24 =	sadd.s32 $0x40, s24  }
0x7d: {  	p0 =	sne.s32 s24, $0x1030  }
.Ltmp3:
0x7e: {  	_ = 	snop;
	(pc) =	sbr.rel @!p0 .LBB2_5-.Ltmp3, $2  }
0x7f: {  	_ =	sdelay $0x2  }
0x80: {  	s22 =	sadd.s32 $0x40, s22;
	s23 =	sadd.s32 $0x40, s23;
	s21 =	sadd.s32 $0x40, s21  }
.LBB2_2:
0x81: {  	v13 =	vld [tilespmem:s21+$0xFFFFFFD0]  }
0x82: {  	v14 =	vld [tilespmem:s23+$0xFFFFFFD0]  }
0x83: {  	v15 =	vld [tilespmem:s21+$0xFFFFFFE0]  }
0x84: {  	v16 =	vld [tilespmem:s23+$0xFFFFFFE0]  }
0x85: {  	v17 =	vld [tilespmem:s22+$0xFFFFFFD0]  }
0x86: {  	v18 =	vld [tilespmem:s22+$0xFFFFFFE0]  }
0x87: {  	v22 =	vld [tilespmem:s23+$0x0]  }
0x88: {  	v19 =	vld [tilespmem:s21+$0xFFFFFFF0];
	v13 =	vsub.f32 v13, v6;
	v14 =	vsub.f32 v14, v7  }
0x89: {  	v20 =	vld [tilespmem:s23+$0xFFFFFFF0];
	v15 =	vsub.f32 v15, v6;
	v16 =	vsub.f32 v16, v7  }
0x8a: {  	v21 =	vld [tilespmem:s21+$0x0];
	v13 =	vmul.f32 v13, v13;
	v14 =	vmul.f32 v14, v14  }
0x8b: {  	v23 =	vld [tilespmem:s22+$0xFFFFFFF0];
	v17 =	vsub.f32 v17, v8;
	v15 =	vmul.f32 v15, v15;
	v16 =	vmul.f32 v16, v16  }
0x8c: {  	v61 =	vsub.f32 v22, v7;
	v13 =	vadd.f32 v14, v13;
	v14 =	vld [tilespmem:s22+$0x0]  }
0x8d: {  	v15 =	vadd.f32 v16, v15;
	v16 =	vsub.f32 v18, v8  }
0x8e: {  	v18 =	vsub.f32 v19, v6;
	v19 =	vsub.f32 v20, v7  }
0x8f: {  	v17 =	vmul.f32 v17, v17;
	v60 =	vmul.f32 v16, v16;
	v16 =	vsub.f32 v21, v6  }
0x90: {  	v62 =	vsub.f32 v23, v8;
	v18 =	vmul.f32 v18, v18;
	v19 =	vmul.f32 v19, v19  }
0x91: {  	v21 =	vmul.f32 v61, v61;
	v63 =	vmul.f32 v16, v16;
	v14 =	vsub.f32 v14, v8  }
0x92: {  	v16 =	vadd.f32 v17, v13;
	v13 =	vadd.f32 v19, v18;
	v17 =	vmul.f32 v62, v62  }
0x93: {  	v15 =	vadd.f32 v60, v15;
	v18 =	vadd.f32 v21, v63;
	v19 =	vmul.f32 v14, v14  }
0x94: {  	v14 =	vadd.f32 v17, v13  }
0x95: {  	vm0 =	vlt.f32 v16, s25;
	vm1 =	vlt.f32 v15, s25;
	v13 =	vadd.f32 v19, v18  }
0x96: {  	vm0 =	vmor vm0, vm1;
	vm14 =	vlt.f32 v14, s25  }
0x97: {  	vm0 =	vmor vm0, vm14;
	vm15 =	vlt.f32 v13, s25  }
0x98: {  	vm0 =	vmor vm0, vm15  }
0x99: {  	v17 =	vsel vm0, $0x3F800000, v5  }
0x9a: {  	(xrf0) =	vmax.scan.msk.f32 $0xffff, v17;
	_ =	sdelay $0x5  }
0x9b: {  	v17, _, _ =	vpop (xrf0)  }
0x9c: {  	(v2sf) =	vpush v17, $0xF;
	_ =	sdelay $0xe  }
0x9d: {  	s26 =	spop (v2sf)  }
0x9e: {  	p0 =	sgt.f32 s26, $0.0e+00  }
.Ltmp4:
0x9f: {  	_ = 	snop;
	(pc) =	sbr.rel @!p0 .LBB2_4-.Ltmp4, $1  }
0xa0: {  	_ =	sdelay $0x3  }
0xa1: {  	s25 =	sadd.s32 $0xFFFFFFD0, s24  }
0xa2: {  	v17 =	vor.u32 s25, v0  }
0xa3: {  	(xrf1) =	vsort.ascd.msk.f32 $0xffff, v16, v17;
	_ =	sdelay $0xd  }
0xa4: {  	v16, v17, _ =	vpop (xrf1)  }
0xa5: {  	v16 =	vperm.xlane v16, v2  }
0xa6: {  	v17 =	vperm.xlane v17, v2  }
0xa7: {  	vm0 =	vle.f32 v12, v16  }
0xa8: {  	v12 =	vsel vm0, v12, v16;
	v11 =	vsel vm0, v11, v17  }
0xa9: {  	(xrf1) =	vsort.ascd.msk.f32 $0xffff, v12, v11;
	_ =	sdelay $0xd  }
0xaa: {  	v11, v12, _ =	vpop (xrf1)  }
0xab: {  	v11 =	vperm.xlane v11, v2  }
0xac: {  	v12 =	vperm.xlane v12, v2  }
0xad: {  	vm9 =	vle.f32 v10, v11  }
0xae: {  	v60 =	vsel vm9, v10, v11;
	v61 =	vsel vm9, v9, v12  }
0xaf: {  	s30 =	sadd.s32 $0xFFFFFFE0, s24;
	v10 =	vsel vm9, v11, v10;
	v9 =	vsel vm9, v12, v9;
	(xrf1) =	vsort.ascd.msk.f32 $0xffff, v60, v61  }
0xb0: {  	v11 =	vor.u32 s30, v0;
	(xrf1) =	vsort.ascd.msk.f32 $0xffff, v10, v9  }
0xb1: {  	(xrf1) =	vsort.ascd.msk.f32 $0xffff, v15, v11;
	_ =	sdelay $0xb  }
0xb2: {  	v9, v10, _ =	vpop (xrf1)  }
0xb3: {  	v11, v12, _ =	vpop (xrf1)  }
0xb4: {  	v15, v62, _ =	vpop (xrf1)  }
0xb5: {  	v15 =	vperm.xlane v15, v2  }
0xb6: {  	v16 =	vperm.xlane v62, v2  }
0xb7: {  	vm10 =	vle.f32 v11, v15  }
0xb8: {  	v11 =	vsel vm10, v11, v15;
	v12 =	vsel vm10, v12, v16  }
0xb9: {  	(xrf1) =	vsort.ascd.msk.f32 $0xffff, v11, v12;
	_ =	sdelay $0xd  }
0xba: {  	v11, v12, _ =	vpop (xrf1)  }
0xbb: {  	v11 =	vperm.xlane v11, v2  }
0xbc: {  	v12 =	vperm.xlane v12, v2  }
0xbd: {  	vm11 =	vle.f32 v9, v11  }
0xbe: {  	v15 =	vsel vm11, v9, v11;
	v63 =	vsel vm11, v10, v12  }
0xbf: {  	s31 =	sadd.s32 $0xFFFFFFF0, s24;
	v9 =	vsel vm11, v11, v9;
	v10 =	vsel vm11, v12, v10;
	(xrf1) =	vsort.ascd.msk.f32 $0xffff, v15, v63  }
0xc0: {  	v11 =	vor.u32 s31, v0;
	(xrf1) =	vsort.ascd.msk.f32 $0xffff, v9, v10  }
0xc1: {  	(xrf1) =	vsort.ascd.msk.f32 $0xffff, v14, v11;
	_ =	sdelay $0xb  }
0xc2: {  	v9, v10, _ =	vpop (xrf1)  }
0xc3: {  	v11, v12, _ =	vpop (xrf1)  }
0xc4: {  	v14, v15, _ =	vpop (xrf1)  }
0xc5: {  	v14 =	vperm.xlane v14, v2  }
0xc6: {  	v15 =	vperm.xlane v15, v2  }
0xc7: {  	vm12 =	vle.f32 v11, v14  }
0xc8: {  	v11 =	vsel vm12, v11, v14;
	v12 =	vsel vm12, v12, v15  }
0xc9: {  	(xrf1) =	vsort.ascd.msk.f32 $0xffff, v11, v12;
	_ =	sdelay $0xd  }
0xca: {  	v11, v12, _ =	vpop (xrf1)  }
0xcb: {  	v11 =	vperm.xlane v11, v2  }
0xcc: {  	v12 =	vperm.xlane v12, v2  }
0xcd: {  	vm13 =	vle.f32 v9, v11  }
0xce: {  	v14 =	vsel vm13, v9, v11;
	v15 =	vsel vm13, v10, v12  }
0xcf: {  	v9 =	vsel vm13, v11, v9;
	v10 =	vsel vm13, v12, v10;
	(xrf1) =	vsort.ascd.msk.f32 $0xffff, v14, v15  }
0xd0: {  	v11 =	vor.u32 s24, v0;
	(xrf1) =	vsort.ascd.msk.f32 $0xffff, v9, v10  }
0xd1: {  	(xrf1) =	vsort.ascd.msk.f32 $0xffff, v13, v11;
	_ =	sdelay $0xb  }
0xd2: {  	v9, v10, _ =	vpop (xrf1)  }
0xd3: {  	v11, v12, _ =	vpop (xrf1)  }
0xd4: {  	v13, v14, _ =	vpop (xrf1)  }
0xd5: {  	v13 =	vperm.xlane v13, v2  }
0xd6: {  	v14 =	vperm.xlane v14, v2  }
0xd7: {  	vm14 =	vle.f32 v11, v13  }
0xd8: {  	v11 =	vsel vm14, v11, v13;
	v12 =	vsel vm14, v12, v14  }
0xd9: {  	(xrf1) =	vsort.ascd.msk.f32 $0xffff, v11, v12;
	_ =	sdelay $0xd  }
0xda: {  	v11, v12, _ =	vpop (xrf1)  }
0xdb: {  	v11 =	vperm.xlane v11, v2  }
0xdc: {  	v12 =	vperm.xlane v12, v2  }
0xdd: {  	vm15 =	vle.f32 v9, v11  }
0xde: {  	v13 =	vsel vm15, v9, v11;
	v14 =	vsel vm15, v10, v12  }
0xdf: {  	v9 =	vsel vm15, v11, v9;
	v10 =	vsel vm15, v12, v10;
	(xrf1) =	vsort.ascd.msk.f32 $0xffff, v13, v14  }
0xe0: {  	(xrf1) =	vsort.ascd.msk.f32 $0xffff, v9, v10;
	_ =	sdelay $0xc  }
0xe1: {  	v10, v9, _ =	vpop (xrf1)  }
0xe2: {  	v12, v11, _ =	vpop (xrf1)  }
0xe3: {  	(xrf0) =	vmax.scan.msk.f32 $0xffff, v12;
	_ =	sdelay $0x5  }
0xe4: {  	v13, _, _ =	vpop (xrf0)  }
0xe5: {  	(v2sf) =	vpush v13, $0xF;
	_ =	sdelay $0xa  }
.Ltmp5:
0xe6: {  	_ = 	snop;
	(pc) =	sbr.rel .LBB2_4-.Ltmp5, $2  }
0xe7: {  	_ =	sdelay $0x2  }
0xe8: {  	s25 =	spop (v2sf)  }
.LBB2_6:
0xe9: {  	_ =	sfence.sel $0x180000  }
0xea: {  	[bflag:$0x0] =	sbarrier.arrive $0xFFFF  }
0xeb: {  	p0 =	sne.s32 s1, $0x0;
	_ =	strace $0x90000047  }
0xec: {  	s0 =	sadd.s32 @!p0 $0x100000, s0;
	[bflag:$0x2] =	sbarrier.arrive $0xFFFF  }
0xed: {  	[sflag:s0] =	ssyncadd.tile.s32 @!p0 $0x1;
	_ =	shalt  }
.Lfunc_end2:
_tile_overlayer_lowered:
.L_overlay_start_2:
0xee: {  	(tag) =	ssettag $0x2  }
0xef: {  	s0 =	rddreg [dreg:$0x0];
	s2 =	stileid.u32  }
0xf0: {  	s1 =	rddreg [dreg:$0x1];
	p0 =	sne.s32 s2, $0x0  }
0xf1: {  	s3 =	rddreg [dreg:$0x2];
	[bflag:$0x3] =	sbarrier.arrive $0xFFFF;
	s2 =	simm.s32 @!p0 $0x1C01  }
0xf2: {  	[timem:s3], [sflag:s2] =	dma.local @!p0 [hbm:s0], s1  }
0xf3: {  	s0 =	simm.s32 @!p0 $0x1  }
0xf4: {  	_ =	swait.ge @!p0 [sflag:s0], s1  }
0xf5: {  	s1 =	ssub.s32 @!p0 $0x0, s1;
	[sflag:s0] =	ssyncset.done @!p0 $0x0  }
0xf6: {  	[sflag:s0] =	ssyncadd.s32 @!p0 s1  }
0xf7: {  	[bflag:$0x3] =	sbarrier.arrive $0xFFFF  }
0xf8: {  	_ =	shalt  }

</sc_bundles>
